<compile_context>
chip_gen: v7x
topology: tpu7x:2x2x1
jax: 0.10.2.dev20260603
libtpu: 0.0.44.dev20260713+nightly
codegen_flags: <defaults>
</compile_context>

<pallas_src>
import functools
import math

import jax
import jax.numpy as jnp
from jax import lax
from jax.experimental import pallas as pl
from jax.experimental.pallas import tpu as pltpu
from jax.experimental.pallas import tpu_sc as plsc

F32 = jnp.float32
D_MODEL = 256
N_HEADS = 8
DH = 32
KNN = 16
B = 8
N_OBJ = 48
T = 11
N_MAP = 512
P_MAP = 20
N_TOK = N_OBJ * T + N_MAP
N_PAD = 1152
T_PAD = 16
P_PAD = 24
NEG = -1e30
BIG = 1e30


def _relu(x):
    return jnp.maximum(x, 0.0)


def _mm(a, b):
    return jnp.dot(a.astype(jnp.bfloat16), b.astype(jnp.bfloat16),
                   preferred_element_type=F32)


def _ln(x, g, b):
    mu = jnp.mean(x, axis=1, keepdims=True)
    xc = x - mu
    var = jnp.mean(xc * xc, axis=1, keepdims=True)
    return xc * lax.rsqrt(var + 1e-5) * g + b


def _obj_pn_body(xin, w0, b0, w1, b1, w2, b2, w3, b3, w4, b4, out):
    x = xin[...]
    h = _relu(jnp.dot(x, w0[...], preferred_element_type=F32) + b0[...])
    rid = lax.broadcasted_iota(jnp.int32, h.shape, 0)
    t = rid & (T_PAD - 1)
    hm = jnp.where(t < T, h, 0.0)
    pooled = jnp.max(hm.reshape(B * N_OBJ, T_PAD, D_MODEL), axis=1, keepdims=True)
    pooledb = jnp.broadcast_to(pooled, (B * N_OBJ, T_PAD, D_MODEL))
    h2 = jnp.concatenate([h, pooledb.reshape(h.shape)], axis=1)
    h2 = _relu(jnp.dot(h2, w1[...], preferred_element_type=F32) + b1[...])
    h2 = _relu(jnp.dot(h2, w2[...], preferred_element_type=F32) + b2[...])
    h3 = _relu(jnp.dot(h2, w3[...], preferred_element_type=F32) + b3[...])
    out[...] = jnp.dot(h3, w4[...], preferred_element_type=F32) + b4[...]


def _map_pn_body(xin, w0, b0, w1, b1, w2, b2, wm0, bm0, wm1, bm1,
                 wo0, bo0, wo1, bo1, out):
    x = xin[0]
    h = _relu(jnp.dot(x, w0[...], preferred_element_type=F32) + b0[...])
    h = _relu(jnp.dot(h, w1[...], preferred_element_type=F32) + b1[...])
    h = _relu(jnp.dot(h, w2[...], preferred_element_type=F32) + b2[...])
    rid = lax.broadcasted_iota(jnp.int32, h.shape, 0)
    t = jnp.remainder(rid, P_PAD)
    hm = jnp.where(t < P_MAP, h, 0.0)
    pooled = jnp.max(hm.reshape(N_MAP, P_PAD, 64), axis=1, keepdims=True)
    pooledb = jnp.broadcast_to(pooled, (N_MAP, P_PAD, 64))
    h2 = jnp.concatenate([h, pooledb.reshape(h.shape)], axis=1)
    h2 = _relu(jnp.dot(h2, wm0[...], preferred_element_type=F32) + bm0[...])
    h2 = _relu(jnp.dot(h2, wm1[...], preferred_element_type=F32) + bm1[...])
    h2m = jnp.where(t < P_MAP, h2, 0.0)
    pooled2 = jnp.max(h2m.reshape(N_MAP, P_PAD, 64), axis=1)
    o = _relu(jnp.dot(pooled2, wo0[...], preferred_element_type=F32) + bo0[...])
    out[0] = jnp.dot(o, wo1[...], preferred_element_type=F32) + bo1[...]


def _prep_body(pos, posT, bias_ref, pe_ref):
    p = pos[0]
    pt = posT[0]
    xc = p[:, 0:1]
    yc = p[:, 1:2]
    zc = p[:, 2:3]
    dx = xc - pt[0:1, :]
    dy = yc - pt[1:2, :]
    dz = zc - pt[2:3, :]
    bias_ref[0] = dx * dx + dy * dy + dz * dz
    c = lax.broadcasted_iota(jnp.int32, (N_TOK, D_MODEL), 1)
    cc = c & 127
    j = (cc >> 1).astype(F32)
    invf = jnp.exp(j * (-math.log(10000.0) / 64.0))
    part = jnp.where(c < 128, yc, xc)
    val = part * (2.0 * math.pi) * invf
    pe_ref[0] = jnp.where((cc & 1) == 0, jnp.sin(val), jnp.cos(val))


_SC_WORKERS = 32
_SC_ROWS = (B * N_TOK) // _SC_WORKERS
_SC_CHUNKS = N_TOK // 16


def _sc_topk_body(d2_hbm, mask_hbm, row_v, mask_v):
    wid = lax.axis_index("s") * 2 + lax.axis_index("c")
    base = wid * _SC_ROWS
    zeros16 = jnp.zeros((16,), F32)
    ones16 = jnp.ones((16,), F32)

    def zero_body(i, carry):
        mask_v[pl.ds(i * 16, 16)] = zeros16
        return carry

    lax.fori_loop(0, _SC_CHUNKS, zero_body, 0)

    def row_body(r, carry):
        pltpu.sync_copy(d2_hbm.at[base + r], row_v)

        def chunk_body(c, cur):
            cur_d, cur_i = cur
            chunk = row_v[pl.ds(c * 16, 16)]
            idxv = lax.iota(jnp.int32, 16) + c * 16
            sd, si = plsc.sort_key_val(chunk, idxv)
            rd = lax.rev(cur_d, (0,))
            ri = lax.rev(cur_i, (0,))
            take = rd <= sd
            md = jnp.where(take, rd, sd)
            mi = jnp.where(take, ri, si)
            out = plsc.sort_key_val(md, mi)
            return (out[0], out[1])

        init = (jnp.full((16,), BIG, F32), jnp.zeros((16,), jnp.int32))
        _, cur_i = lax.fori_loop(0, _SC_CHUNKS, chunk_body, init)
        plsc.store_scatter(mask_v, [cur_i], ones16)
        pltpu.sync_copy(mask_v, mask_hbm.at[base + r])
        plsc.store_scatter(mask_v, [cur_i], zeros16)
        return carry

    lax.fori_loop(0, _SC_ROWS, row_body, 0)


def _sc_topk_mask(d2_flat):
    mesh = plsc.VectorSubcoreMesh(core_axis_name="c", subcore_axis_name="s")
    fn = functools.partial(
        pl.kernel,
        out_type=jax.ShapeDtypeStruct((B * N_TOK, N_TOK), F32),
        mesh=mesh,
        scratch_types=[pltpu.VMEM((N_TOK,), F32),
                       pltpu.VMEM((N_TOK,), F32)],
        compiler_params=pltpu.CompilerParams(needs_layout_passes=False),
    )(_sc_topk_body)
    return fn(d2_flat)


def _layer_body(x_ref, pe_ref, bias_ref, wq, bq, wk, bk, wv, bv, wo, bo,
                w1, bf1, w2, bf2, g1, be1, g2, be2, out_ref):
    x = x_ref[0]
    pe = pe_ref[0]
    mask01 = bias_ref[0].astype(jnp.bfloat16)
    qk = x + pe
    q = (_mm(qk, wq[...]) + bq[...]) * (DH ** -0.5)
    k = (_mm(qk, wk[...]) + bk[...]).astype(jnp.bfloat16)
    v = (_mm(x, wv[...]) + bv[...]).astype(jnp.bfloat16)
    qb = q.astype(jnp.bfloat16)
    ones8 = jnp.ones((N_TOK, 8), jnp.bfloat16)
    parts = []
    for h in range(N_HEADS):
        s = slice(DH * h, DH * (h + 1))
        S = lax.dot_general(qb[:, s], k[:, s], (((1,), (1,)), ((), ())),
                            preferred_element_type=F32)
        Eb = (jnp.exp(jnp.clip(S, -80.0, 60.0)) * mask01).astype(jnp.bfloat16)
        va = jnp.concatenate([v[:, s], ones8], axis=1)
        pv = jnp.dot(Eb, va, preferred_element_type=F32)
        parts.append(pv[:, :DH] / pv[:, DH:DH + 1])
    attn = jnp.concatenate(parts, axis=1)
    src = _ln(x + _mm(attn, wo[...]) + bo[...],
              g1[...], be1[...])
    ff = _mm(_relu(_mm(src, w1[...]) + bf1[...]), w2[...]) + bf2[...]
    out_ref[0] = _ln(src + ff, g2[...], be2[...])


def _wt(l):
    return l['W'].T


def _bb(l):
    return l['b'][None, :]


def kernel(obj_trajs, obj_trajs_mask, map_polylines, map_polylines_mask,
           obj_trajs_last_pos, obj_trajs_pos, map_polylines_center, params):
    p = params

    obj_in = jnp.concatenate(
        [obj_trajs, obj_trajs_mask[..., None].astype(F32)], axis=-1)
    obj_in = obj_in.reshape(B * N_OBJ, T, 30)
    obj_in = jnp.pad(obj_in, ((0, 0), (0, T_PAD - T), (0, 2)))
    obj_in = obj_in.reshape(B * N_OBJ * T_PAD, 32)
    w_pre = jnp.pad(_wt(p['agent_pre'][0]), ((0, 2), (0, 0)))
    obj_feat = pl.pallas_call(
        _obj_pn_body,
        out_shape=jax.ShapeDtypeStruct((B * N_OBJ * T_PAD, D_MODEL), F32),
    )(obj_in, w_pre, _bb(p['agent_pre'][0]),
      _wt(p['agent_mid'][0]), _bb(p['agent_mid'][0]),
      _wt(p['agent_mid'][1]), _bb(p['agent_mid'][1]),
      _wt(p['agent_out'][0]), _bb(p['agent_out'][0]),
      _wt(p['agent_out'][1]), _bb(p['agent_out'][1]))

    map_in = jnp.pad(map_polylines, ((0, 0), (0, 0), (0, P_PAD - P_MAP), (0, 7)))
    map_in = map_in.reshape(B, N_MAP * P_PAD, 16)
    w_mpre = jnp.pad(_wt(p['map_pre'][0]), ((0, 7), (0, 0)))
    full2 = lambda shp: pl.BlockSpec(shp, lambda b: (0, 0))
    map_feat = pl.pallas_call(
        _map_pn_body,
        grid=(B,),
        in_specs=[pl.BlockSpec((1, N_MAP * P_PAD, 16), lambda b: (b, 0, 0)),
                  full2((16, 64)), full2((1, 64)),
                  full2((64, 64)), full2((1, 64)),
                  full2((64, 64)), full2((1, 64)),
                  full2((128, 64)), full2((1, 64)),
                  full2((64, 64)), full2((1, 64)),
                  full2((64, 64)), full2((1, 64)),
                  full2((64, 256)), full2((1, 256))],
        out_specs=pl.BlockSpec((1, N_MAP, D_MODEL), lambda b: (b, 0, 0)),
        out_shape=jax.ShapeDtypeStruct((B, N_MAP, D_MODEL), F32),
    )(map_in, w_mpre, _bb(p['map_pre'][0]),
      _wt(p['map_pre'][1]), _bb(p['map_pre'][1]),
      _wt(p['map_pre'][2]), _bb(p['map_pre'][2]),
      _wt(p['map_mid'][0]), _bb(p['map_mid'][0]),
      _wt(p['map_mid'][1]), _bb(p['map_mid'][1]),
      _wt(p['map_out'][0]), _bb(p['map_out'][0]),
      _wt(p['map_out'][1]), _bb(p['map_out'][1]))

    obj_seq = obj_feat.reshape(B * N_OBJ, T_PAD, D_MODEL)[:, :T]
    obj_seq = obj_seq.reshape(B, N_OBJ * T, D_MODEL)
    tok = jnp.concatenate([obj_seq, map_feat], axis=1)
    pos = jnp.concatenate(
        [obj_trajs_pos.reshape(B, N_OBJ * T, 3), map_polylines_center], axis=1)
    pos = jnp.pad(pos, ((0, 0), (0, 0), (0, 5)))
    posT = jnp.swapaxes(pos, 1, 2)

    d2, pe = pl.pallas_call(
        _prep_body,
        grid=(B,),
        in_specs=[pl.BlockSpec((1, N_TOK, 8), lambda b: (b, 0, 0)),
                  pl.BlockSpec((1, 8, N_TOK), lambda b: (b, 0, 0))],
        out_specs=[pl.BlockSpec((1, N_TOK, N_TOK), lambda b: (b, 0, 0)),
                   pl.BlockSpec((1, N_TOK, D_MODEL), lambda b: (b, 0, 0))],
        out_shape=[jax.ShapeDtypeStruct((B, N_TOK, N_TOK), F32),
                   jax.ShapeDtypeStruct((B, N_TOK, D_MODEL), F32)],
    )(pos, posT)

    bias = _sc_topk_mask(d2.reshape(B * N_TOK, N_TOK)).reshape(B, N_TOK, N_TOK)

    x = tok
    row_spec = pl.BlockSpec((1, N_TOK, D_MODEL), lambda b: (b, 0, 0))
    layer_specs = [row_spec, row_spec,
                   pl.BlockSpec((1, N_TOK, N_TOK), lambda b: (b, 0, 0)),
                   full2((D_MODEL, D_MODEL)), full2((1, D_MODEL)),
                   full2((D_MODEL, D_MODEL)), full2((1, D_MODEL)),
                   full2((D_MODEL, D_MODEL)), full2((1, D_MODEL)),
                   full2((D_MODEL, D_MODEL)), full2((1, D_MODEL)),
                   full2((D_MODEL, 4 * D_MODEL)), full2((1, 4 * D_MODEL)),
                   full2((4 * D_MODEL, D_MODEL)), full2((1, D_MODEL)),
                   full2((1, D_MODEL)), full2((1, D_MODEL)),
                   full2((1, D_MODEL)), full2((1, D_MODEL))]
    for lp in p['layers']:
        x = pl.pallas_call(
            _layer_body,
            grid=(B,),
            in_specs=layer_specs,
            out_specs=row_spec,
            out_shape=jax.ShapeDtypeStruct((B, N_TOK, D_MODEL), F32),
        )(x, pe, bias,
          _wt(lp['q']), _bb(lp['q']), _wt(lp['k']), _bb(lp['k']),
          _wt(lp['v']), _bb(lp['v']), _wt(lp['o']), _bb(lp['o']),
          _wt(lp['ff1']), _bb(lp['ff1']), _wt(lp['ff2']), _bb(lp['ff2']),
          lp['ln1_g'][None, :], lp['ln1_b'][None, :],
          lp['ln2_g'][None, :], lp['ln2_b'][None, :])

    obj_out = x[:, :N_OBJ * T].reshape(B, N_OBJ, T, D_MODEL)
    map_out = jnp.broadcast_to(
        x[:, N_OBJ * T:][:, :, None, :], (B, N_MAP, T, D_MODEL))
    map_mask = map_polylines_mask.sum(axis=-1) > 0
    return obj_out, map_out, obj_trajs_mask, map_mask, obj_trajs_last_pos

# --- scband reference (transcript-rebuilt; emitter-appended) ---
"""Pipeline reference for scband-mtrencoder-56659208569436 (READ-ONLY COPY).

The authoritative reference and input builder live on the scoring server;
editing this copy changes nothing except your own understanding.
"""

import jax, jax.numpy as jnp
import numpy as np

D_MODEL = 256
N_HEADS = 8
NUM_NEIGHBORS = 16
B, N_OBJ, T, C_OBJ = 8, 48, 11, 29
N_MAP, P_MAP, C_MAP = 512, 20, 9

def _linear(key, fan_in, fan_out):
    k1, _ = jax.random.split(key)
    W = jax.random.normal(k1, (fan_out, fan_in), dtype=jnp.float32) * 0.02
    b = jnp.zeros((fan_out,), dtype=jnp.float32)
    return {'W': W, 'b': b}

def _mlp_params(key, c_in, channels):
    layers = []
    for c in channels:
        key, sub = jax.random.split(key)
        layers.append(_linear(sub, c_in, c))
        c_in = c
    return layers

def setup_inputs(seed: int = 0):
    key = jax.random.key(seed)
    ks = jax.random.split(key, 16)
    obj_trajs = jax.random.normal(ks[0], (B, N_OBJ, T, C_OBJ), dtype=jnp.float32)
    obj_trajs_mask = jnp.ones((B, N_OBJ, T), dtype=bool)
    map_polylines = jax.random.normal(ks[1], (B, N_MAP, P_MAP, C_MAP), dtype=jnp.float32)
    map_polylines_mask = jnp.ones((B, N_MAP, P_MAP), dtype=bool)
    obj_trajs_last_pos = jax.random.normal(ks[2], (B, N_OBJ, 3), dtype=jnp.float32)
    obj_trajs_pos = jax.random.normal(ks[3], (B, N_OBJ, T, 3), dtype=jnp.float32)
    map_polylines_center = jax.random.normal(ks[4], (B, N_MAP, 3), dtype=jnp.float32)
    params = {
        'agent_pre': _mlp_params(ks[5], 30, [256]),
        'agent_mid': _mlp_params(ks[6], 512, [256, 256]),
        'agent_out': _mlp_params(ks[7], 256, [256, 256]),
        'map_pre': _mlp_params(ks[8], 9, [64, 64, 64]),
        'map_mid': _mlp_params(ks[9], 128, [64, 64]),
        'map_out': _mlp_params(ks[10], 64, [64, 256]),
    }
    layers = []
    lk = ks[11]
    for _ in range(6):
        lk, a, bb, c, d, e, f = jax.random.split(lk, 7)
        layers.append({
            'q': _linear(a, D_MODEL, D_MODEL),
            'k': _linear(bb, D_MODEL, D_MODEL),
            'v': _linear(c, D_MODEL, D_MODEL),
            'o': _linear(d, D_MODEL, D_MODEL),
            'ff1': _linear(e, D_MODEL, 4 * D_MODEL),
            'ff2': _linear(f, 4 * D_MODEL, D_MODEL),
            'ln1_g': jnp.ones((D_MODEL,), jnp.float32),
            'ln1_b': jnp.zeros((D_MODEL,), jnp.float32),
            'ln2_g': jnp.ones((D_MODEL,), jnp.float32),
            'ln2_b': jnp.zeros((D_MODEL,), jnp.float32),
        })
    params['layers'] = layers
    return {'obj_trajs': obj_trajs, 'obj_trajs_mask': obj_trajs_mask, 'map_polylines': map_polylines, 'map_polylines_mask': map_polylines_mask, 'obj_trajs_last_pos': obj_trajs_last_pos, 'obj_trajs_pos': obj_trajs_pos, 'map_polylines_center': map_polylines_center, 'params': params}

def _apply_mlp(x, layers, last_act=True):
    n = len(layers)
    for i, l in enumerate(layers):
        x = x @ l['W'].T + l['b']
        if last_act or i < n - 1:
            x = jax.nn.relu(x)
    return x

def _pointnet(polylines, mask, pre, mid, out, multipoint):
    m = mask[..., None].astype(polylines.dtype)
    x = _apply_mlp(polylines, pre, last_act=True) * m
    pooled = x.max(axis=2)
    x = jnp.concatenate([x, jnp.broadcast_to(pooled[:, :, None, :], x.shape)], axis=-1)
    x = _apply_mlp(x, mid, last_act=True) * m
    if multipoint:
        return _apply_mlp(x, out, last_act=False) * m
    x = x.max(axis=2)
    valid = (mask.sum(axis=-1) > 0)[..., None].astype(x.dtype)
    return _apply_mlp(x, out, last_act=False) * valid

def _sine_embed(pos_xy, hidden_dim):
    scale = 2.0 * np.pi
    half = hidden_dim // 2
    dim_t = jnp.arange(half, dtype=jnp.float32)
    dim_t = 10000.0 ** (2.0 * (dim_t // 2) / half)
    xe = pos_xy[:, 0] * scale
    ye = pos_xy[:, 1] * scale
    px = xe[:, None] / dim_t
    py = ye[:, None] / dim_t
    px = jnp.stack([jnp.sin(px[:, 0::2]), jnp.cos(px[:, 1::2])], axis=2).reshape(pos_xy.shape[0], -1)
    py = jnp.stack([jnp.sin(py[:, 0::2]), jnp.cos(py[:, 1::2])], axis=2).reshape(pos_xy.shape[0], -1)
    return jnp.concatenate([py, px], axis=1)

def _layer_norm(x, g, b):
    mu = x.mean(axis=-1, keepdims=True)
    var = ((x - mu) ** 2).mean(axis=-1, keepdims=True)
    return (x - mu) / jnp.sqrt(var + 1e-5) * g + b

def _local_attn_layer(src, pe, index_pair, p):
    M, d = src.shape
    H = N_HEADS
    dh = d // H
    qk_in = src + pe
    q = (qk_in @ p['q']['W'].T + p['q']['b']).reshape(M, H, dh) * (dh ** -0.5)
    k = (qk_in @ p['k']['W'].T + p['k']['b']).reshape(M, H, dh)
    v = (src @ p['v']['W'].T + p['v']['b']).reshape(M, H, dh)
    kn = k[index_pair]
    vn = v[index_pair]
    logits = jnp.einsum('mhd,mkhd->mhk', q, kn)
    w = jax.nn.softmax(logits, axis=-1)
    attn = jnp.einsum('mhk,mkhd->mhd', w, vn).reshape(M, d)
    src = _layer_norm(src + (attn @ p['o']['W'].T + p['o']['b']), p['ln1_g'], p['ln1_b'])
    ff = jax.nn.relu(src @ p['ff1']['W'].T + p['ff1']['b']) @ p['ff2']['W'].T + p['ff2']['b']
    return _layer_norm(src + ff, p['ln2_g'], p['ln2_b'])

def _forward(obj_trajs, obj_trajs_mask, map_polylines, map_polylines_mask, obj_trajs_pos, map_polylines_center, params):
    Bv, No, Tv, _ = obj_trajs.shape
    Nm = map_polylines.shape[1]
    obj_in = jnp.concatenate([obj_trajs, obj_trajs_mask[..., None].astype(obj_trajs.dtype)], axis=-1)
    obj_feat = _pointnet(obj_in, obj_trajs_mask, params['agent_pre'], params['agent_mid'], params['agent_out'], True)
    map_feat = _pointnet(map_polylines, map_polylines_mask, params['map_pre'], params['map_mid'], params['map_out'], False)
    tok = jnp.concatenate([obj_feat.reshape(Bv, No * Tv, D_MODEL), map_feat], axis=1)
    pos = jnp.concatenate([obj_trajs_pos.reshape(Bv, No * Tv, 3), map_polylines_center], axis=1)
    Ntot = No * Tv + Nm
    d2 = jnp.sum((pos[:, :, None, :] - pos[:, None, :, :]) ** 2, axis=-1)
    _, idx = jax.lax.top_k(-d2, NUM_NEIGHBORS)
    index_pair = (idx + (jnp.arange(Bv) * Ntot)[:, None, None]).reshape(Bv * Ntot, NUM_NEIGHBORS)
    x = tok.reshape(Bv * Ntot, D_MODEL)
    pe = _sine_embed(pos.reshape(Bv * Ntot, 3)[:, :2], D_MODEL)
    for lp in params['layers']:
        x = _local_attn_layer(x, pe, index_pair, lp)
    return x.reshape(Bv, Ntot, D_MODEL)

def reference(obj_trajs, obj_trajs_mask, map_polylines, map_polylines_mask, obj_trajs_last_pos, obj_trajs_pos, map_polylines_center, params):
    x = _forward(obj_trajs, obj_trajs_mask, map_polylines, map_polylines_mask, obj_trajs_pos, map_polylines_center, params)
    obj_out = x[:, :N_OBJ * T].reshape(B, N_OBJ, T, D_MODEL)
    map_out = jnp.broadcast_to(x[:, N_OBJ * T:][:, :, None, :], (B, N_MAP, T, D_MODEL))
    map_mask = map_polylines_mask.sum(axis=-1) > 0
    return obj_out, map_out, obj_trajs_mask, map_mask, obj_trajs_last_pos

if __name__ == "__main__":
    import jax
    _d = setup_inputs()
    print(jax.jit(kernel)(*tuple(_d.values())))

</pallas_src>

<mosaic_0001>
#map = affine_map<(d0, d1) -> (0, 0)>
module attributes {stable_mosaic.version = 14 : i64} {
  func.func @_sc_topk_body(%arg0: i32, %arg1: i32, %arg2: memref<8320x1040xf32, #tpu.memory_space<hbm>>, %arg3: memref<8320x1040xf32, #tpu.memory_space<hbm>>, %arg4: memref<1040xf32, #tpu.memory_space<vmem>>, %arg5: memref<1040xf32, #tpu.memory_space<vmem>>) attributes {dimension_semantics = [#tpu.dimension_semantics<core_parallel>, #tpu.dimension_semantics<subcore_parallel>], iteration_bounds = array<i64: 2, 16>, scalar_prefetch = 0 : i64, scratch_operands = 2 : i64, tpu.core_type = #tpu.core_type<sc_vector_subcore>, window_params = [{transform_indices = #map}, {transform_indices = #map}]} {
    %mul3A = arith.constant 2 : i32
    %mul3A_0 = arith.muli %arg1, %mul3A : i32
    %add3A = arith.addi %mul3A_0, %arg0 : i32
    %mul3A_1 = arith.constant 260 : i32
    %mul3A_2 = arith.muli %add3A, %mul3A_1 : i32
    %broadcast_in_dim3A = arith.constant 0.000000e+00 : f32
    %broadcast_in_dim3A_3 = vector.broadcast %broadcast_in_dim3A : f32 to vector<16xf32>
    %broadcast_in_dim3A_4 = arith.constant 1.000000e+00 : f32
    %broadcast_in_dim3A_5 = vector.broadcast %broadcast_in_dim3A_4 : f32 to vector<16xf32>
    %scan3A = arith.constant 0 : i32
    %scan3A_6 = arith.constant 0 : i32
    %scan3A_7 = arith.constant 65 : i32
    %scan3A_8 = arith.addi %scan3A_6, %scan3A_7 : i32
    %scan3A_9 = arith.constant 1 : i32
    scf.for %scan3A_17 = %scan3A_6 to %scan3A_8 step %scan3A_9  : i32 {
      %mul3A_18 = arith.constant 16 : i32
      %mul3A_19 = arith.muli %scan3A_17, %mul3A_18 : i32
      %swap3A = arith.index_cast %mul3A_19 : i32 to index
      %swap3A_20 = tpu.vector_load %arg5[%swap3A] {strides = array<i32>} : memref<1040xf32, #tpu.memory_space<vmem>>, vector<16xf32>,
      tpu.vector_store %arg5[%swap3A], %broadcast_in_dim3A_3 {strides = array<i32>} : memref<1040xf32, #tpu.memory_space<vmem>>, vector<16xf32>,
    }
    %scan3A_10 = arith.constant 65 : i32
    %scan3A_11 = arith.constant 0 : i32
    %scan3A_12 = arith.constant 0 : i32
    %scan3A_13 = arith.constant 260 : i32
    %scan3A_14 = arith.addi %scan3A_12, %scan3A_13 : i32
    %scan3A_15 = arith.constant 1 : i32
    scf.for %scan3A_17 = %scan3A_12 to %scan3A_14 step %scan3A_15  : i32 {
      %add3A_18 = arith.addi %mul3A_2, %scan3A_17 : i32
      "tpu.region"() ({
        %run_scoped3A = tpu.sem_alloc : memref<!tpu.dma_semaphore, #tpu.memory_space<semaphore_mem>>
        %dma_start3A = arith.constant 0 : i32
        %dma_start3A_30 = tpu.memref_slice %arg2[%add3A_18, %dma_start3A] : memref<8320x1040xf32, #tpu.memory_space<hbm>> -> memref<1x1040xf32, #tpu.memory_space<hbm>>
        %dma_start3A_31 = tpu.memref_squeeze %dma_start3A_30 : memref<1x1040xf32, #tpu.memory_space<hbm>> -> memref<1040xf32, #tpu.memory_space<hbm>>
        %dma_start3A_32 = arith.constant 0 : i32
        %dma_start3A_33 = tpu.memref_slice %arg2[%add3A_18, %dma_start3A_32] : memref<8320x1040xf32, #tpu.memory_space<hbm>> -> memref<1x1040xf32, #tpu.memory_space<hbm>>
        %dma_start3A_34 = tpu.memref_squeeze %dma_start3A_33 : memref<1x1040xf32, #tpu.memory_space<hbm>> -> memref<1040xf32, #tpu.memory_space<hbm>>
        tpu.enqueue_dma source(%dma_start3A_34 : memref<1040xf32, #tpu.memory_space<hbm>>) target(%arg4 : memref<1040xf32, #tpu.memory_space<vmem>>) target_semaphore(%run_scoped3A : memref<!tpu.dma_semaphore, #tpu.memory_space<semaphore_mem>>)
        %dma_wait3A = arith.constant 0 : i32
        %dma_wait3A_35 = tpu.memref_slice %arg2[%add3A_18, %dma_wait3A] : memref<8320x1040xf32, #tpu.memory_space<hbm>> -> memref<1x1040xf32, #tpu.memory_space<hbm>>
        %dma_wait3A_36 = tpu.memref_squeeze %dma_wait3A_35 : memref<1x1040xf32, #tpu.memory_space<hbm>> -> memref<1040xf32, #tpu.memory_space<hbm>>
        %dma_wait3A_37 = arith.constant 0 : i32
        %dma_wait3A_38 = tpu.memref_slice %arg2[%add3A_18, %dma_wait3A_37] : memref<8320x1040xf32, #tpu.memory_space<hbm>> -> memref<1x1040xf32, #tpu.memory_space<hbm>>
        %dma_wait3A_39 = tpu.memref_squeeze %dma_wait3A_38 : memref<1x1040xf32, #tpu.memory_space<hbm>> -> memref<1040xf32, #tpu.memory_space<hbm>>
        tpu.wait_dma2 semaphore(%run_scoped3A : memref<!tpu.dma_semaphore, #tpu.memory_space<semaphore_mem>>) src(%dma_wait3A_39 : memref<1040xf32, #tpu.memory_space<hbm>>) dst(%arg4 : memref<1040xf32, #tpu.memory_space<vmem>>)
        tpu.yield
      }) : () -> ()
      %broadcast_in_dim3A_19 = arith.constant 1.000000e+30 : f32
      %broadcast_in_dim3A_20 = vector.broadcast %broadcast_in_dim3A_19 : f32 to vector<16xf32>
      %broadcast_in_dim3A_21 = arith.constant 0 : i32
      %broadcast_in_dim3A_22 = vector.broadcast %broadcast_in_dim3A_21 : i32 to vector<16xi32>
      %scan3A_23 = arith.constant 0 : i32
      %scan3A_24 = arith.constant 65 : i32
      %scan3A_25 = arith.addi %scan3A_23, %scan3A_24 : i32
      %scan3A_26 = arith.constant 1 : i32
      %scan3A_27:2 = scf.for %scan3A_30 = %scan3A_23 to %scan3A_25 step %scan3A_26 iter_args(%scan3A_31 = %broadcast_in_dim3A_20, %scan3A_32 = %broadcast_in_dim3A_22) -> (vector<16xf32>, vector<16xi32>)  : i32 {
        %mul3A_33 = arith.constant 16 : i32
        %mul3A_34 = arith.muli %scan3A_30, %mul3A_33 : i32
        %get3A = arith.index_cast %mul3A_34 : i32 to index
        %get3A_35 = tpu.vector_load %arg4[%get3A] {strides = array<i32>} : memref<1040xf32, #tpu.memory_space<vmem>>, vector<16xf32>,
        %iota3A = tpu.iota {dimensions = array<i32: 0>} : vector<16xi32>
        %mul3A_36 = arith.constant 16 : i32
        %mul3A_37 = arith.muli %scan3A_30, %mul3A_36 : i32
        %add3A_38 = vector.broadcast %mul3A_37 : i32 to vector<16xi32>
        %add3A_39 = arith.addi %iota3A, %add3A_38 : vector<16xi32>
        %masked_sort3A = arith.constant dense<true> : vector<16xi1>
        %masked_sort3A_40, %masked_sort3A_41, %masked_sort3A_42 = tpu.sort %get3A_35, %add3A_39 masked %masked_sort3A : (vector<16xf32>, vector<16xi32>, vector<16xi1>) -> (vector<16xi1>, vector<16xf32>, vector<16xi32>)
        %rev3A = arith.constant 15 : i32
        %rev3A_43 = vector.broadcast %rev3A : i32 to vector<16xi32>
        %rev3A_44 = tpu.iota {dimensions = array<i32: 0>} : vector<16xi32>
        %rev3A_45 = arith.subi %rev3A_43, %rev3A_44 : vector<16xi32>
        %rev3A_46 = tpu.dynamic_gather %scan3A_31[%rev3A_45] in [0] : vector<16xf32>, vector<16xi32> -> vector<16xf32>
        %rev3A_47 = arith.constant 15 : i32
        %rev3A_48 = vector.broadcast %rev3A_47 : i32 to vector<16xi32>
        %rev3A_49 = tpu.iota {dimensions = array<i32: 0>} : vector<16xi32>
        %rev3A_50 = arith.subi %rev3A_48, %rev3A_49 : vector<16xi32>
        %rev3A_51 = tpu.dynamic_gather %scan3A_32[%rev3A_50] in [0] : vector<16xi32>, vector<16xi32> -> vector<16xi32>
        %le3A = arith.cmpf ole, %rev3A_46, %masked_sort3A_41 : vector<16xf32>
        %select_n3A = arith.select %le3A, %rev3A_46, %masked_sort3A_41 : vector<16xi1>, vector<16xf32>
        %select_n3A_52 = arith.select %le3A, %rev3A_51, %masked_sort3A_42 : vector<16xi1>, vector<16xi32>
        %masked_sort3A_53 = arith.constant dense<true> : vector<16xi1>
        %masked_sort3A_54, %masked_sort3A_55, %masked_sort3A_56 = tpu.sort %select_n3A, %select_n3A_52 masked %masked_sort3A_53 : (vector<16xf32>, vector<16xi32>, vector<16xi1>) -> (vector<16xi1>, vector<16xf32>, vector<16xi32>)
        scf.yield %masked_sort3A_55, %masked_sort3A_56 : vector<16xf32>, vector<16xi32>
      }
      %scan3A_28 = arith.constant 65 : i32
      tpu.vector_store_idx %arg5[%scan3A_27#1], %broadcast_in_dim3A_5 : memref<1040xf32, #tpu.memory_space<vmem>>[vector<16xi32>], vector<16xf32>,
      %add3A_29 = arith.addi %mul3A_2, %scan3A_17 : i32
      "tpu.region"() ({
        %run_scoped3A = tpu.sem_alloc : memref<!tpu.dma_semaphore, #tpu.memory_space<semaphore_mem>>
        %dma_start3A = arith.constant 0 : i32
        %dma_start3A_30 = tpu.memref_slice %arg3[%add3A_29, %dma_start3A] : memref<8320x1040xf32, #tpu.memory_space<hbm>> -> memref<1x1040xf32, #tpu.memory_space<hbm>>
        %dma_start3A_31 = tpu.memref_squeeze %dma_start3A_30 : memref<1x1040xf32, #tpu.memory_space<hbm>> -> memref<1040xf32, #tpu.memory_space<hbm>>
        %dma_start3A_32 = arith.constant 0 : i32
        %dma_start3A_33 = tpu.memref_slice %arg3[%add3A_29, %dma_start3A_32] : memref<8320x1040xf32, #tpu.memory_space<hbm>> -> memref<1x1040xf32, #tpu.memory_space<hbm>>
        %dma_start3A_34 = tpu.memref_squeeze %dma_start3A_33 : memref<1x1040xf32, #tpu.memory_space<hbm>> -> memref<1040xf32, #tpu.memory_space<hbm>>
        tpu.enqueue_dma source(%arg5 : memref<1040xf32, #tpu.memory_space<vmem>>) target(%dma_start3A_34 : memref<1040xf32, #tpu.memory_space<hbm>>) target_semaphore(%run_scoped3A : memref<!tpu.dma_semaphore, #tpu.memory_space<semaphore_mem>>)
        %dma_wait3A = arith.constant 0 : i32
        %dma_wait3A_35 = tpu.memref_slice %arg3[%add3A_29, %dma_wait3A] : memref<8320x1040xf32, #tpu.memory_space<hbm>> -> memref<1x1040xf32, #tpu.memory_space<hbm>>
        %dma_wait3A_36 = tpu.memref_squeeze %dma_wait3A_35 : memref<1x1040xf32, #tpu.memory_space<hbm>> -> memref<1040xf32, #tpu.memory_space<hbm>>
        %dma_wait3A_37 = arith.constant 0 : i32
        %dma_wait3A_38 = tpu.memref_slice %arg3[%add3A_29, %dma_wait3A_37] : memref<8320x1040xf32, #tpu.memory_space<hbm>> -> memref<1x1040xf32, #tpu.memory_space<hbm>>
        %dma_wait3A_39 = tpu.memref_squeeze %dma_wait3A_38 : memref<1x1040xf32, #tpu.memory_space<hbm>> -> memref<1040xf32, #tpu.memory_space<hbm>>
        tpu.wait_dma2 semaphore(%run_scoped3A : memref<!tpu.dma_semaphore, #tpu.memory_space<semaphore_mem>>) src(%arg5 : memref<1040xf32, #tpu.memory_space<vmem>>) dst(%dma_wait3A_39 : memref<1040xf32, #tpu.memory_space<hbm>>)
        tpu.yield
      }) : () -> ()
      tpu.vector_store_idx %arg5[%scan3A_27#1], %broadcast_in_dim3A_3 : memref<1040xf32, #tpu.memory_space<vmem>>[vector<16xi32>], vector<16xf32>,
    }
    %scan3A_16 = arith.constant 260 : i32
    return
  }
}

module attributes {stable_mosaic.version = 14 : i64} {
  func.func @_prep_body(%arg0: i32, %arg1: memref<1x1040x8xf32, #tpu.memory_space<vmem>>, %arg2: memref<1x8x1040xf32, #tpu.memory_space<vmem>>, %arg3: memref<1x1040x1040xf32, #tpu.memory_space<vmem>>, %arg4: memref<1x1040x256xf32, #tpu.memory_space<vmem>>) attributes {dimension_semantics = [#tpu.dimension_semantics<arbitrary>], iteration_bounds = array<i64: 8>, scalar_prefetch = 0 : i64, scratch_operands = 0 : i64, tpu.core_type = #tpu.core_type<tc>, window_params = [{transform_indices = @transform_0, window_bounds = array<i64: 1, 1040, 8>}, {transform_indices = @transform_1, window_bounds = array<i64: 1, 8, 1040>}, {transform_indices = @transform_2, window_bounds = array<i64: 1, 1040, 1040>}, {transform_indices = @transform_3, window_bounds = array<i64: 1, 1040, 256>}]} {
    %get3A = arith.constant 0 : index
    %get3A_0 = arith.constant 0 : index
    %get3A_1 = arith.constant 0 : index
    %get3A_2 = vector.load %arg1[%get3A, %get3A_0, %get3A_1] : memref<1x1040x8xf32, #tpu.memory_space<vmem>>, vector<1x1040x8xf32>
    %get3A_3 = vector.shape_cast %get3A_2 : vector<1x1040x8xf32> to vector<1040x8xf32>
    %get3A_4 = arith.constant 0 : index
    %get3A_5 = arith.constant 0 : index
    %get3A_6 = arith.constant 0 : index
    %get3A_7 = vector.load %arg2[%get3A_4, %get3A_5, %get3A_6] : memref<1x8x1040xf32, #tpu.memory_space<vmem>>, vector<1x8x1040xf32>
    %get3A_8 = vector.shape_cast %get3A_7 : vector<1x8x1040xf32> to vector<8x1040xf32>
    %slice3A = vector.extract_strided_slice %get3A_3 {offsets = [0, 0], sizes = [1040, 1], strides = [1, 1]} : vector<1040x8xf32> to vector<1040x1xf32>
    %slice3A_9 = vector.extract_strided_slice %get3A_3 {offsets = [0, 1], sizes = [1040, 1], strides = [1, 1]} : vector<1040x8xf32> to vector<1040x1xf32>
    %slice3A_10 = vector.extract_strided_slice %get3A_3 {offsets = [0, 2], sizes = [1040, 1], strides = [1, 1]} : vector<1040x8xf32> to vector<1040x1xf32>
    %slice3A_11 = vector.extract_strided_slice %get3A_8 {offsets = [0, 0], sizes = [1, 1040], strides = [1, 1]} : vector<8x1040xf32> to vector<1x1040xf32>
    %sub3A = vector.broadcast %slice3A : vector<1040x1xf32> to vector<1040x1040xf32>
    %sub3A_12 = vector.broadcast %slice3A_11 : vector<1x1040xf32> to vector<1040x1040xf32>
    %sub3A_13 = arith.subf %sub3A, %sub3A_12 : vector<1040x1040xf32>
    %slice3A_14 = vector.extract_strided_slice %get3A_8 {offsets = [1, 0], sizes = [1, 1040], strides = [1, 1]} : vector<8x1040xf32> to vector<1x1040xf32>
    %sub3A_15 = vector.broadcast %slice3A_9 : vector<1040x1xf32> to vector<1040x1040xf32>
    %sub3A_16 = vector.broadcast %slice3A_14 : vector<1x1040xf32> to vector<1040x1040xf32>
    %sub3A_17 = arith.subf %sub3A_15, %sub3A_16 : vector<1040x1040xf32>
    %slice3A_18 = vector.extract_strided_slice %get3A_8 {offsets = [2, 0], sizes = [1, 1040], strides = [1, 1]} : vector<8x1040xf32> to vector<1x1040xf32>
    %sub3A_19 = vector.broadcast %slice3A_10 : vector<1040x1xf32> to vector<1040x1040xf32>
    %sub3A_20 = vector.broadcast %slice3A_18 : vector<1x1040xf32> to vector<1040x1040xf32>
    %sub3A_21 = arith.subf %sub3A_19, %sub3A_20 : vector<1040x1040xf32>
    %mul3A = arith.mulf %sub3A_13, %sub3A_13 : vector<1040x1040xf32>
    %mul3A_22 = arith.mulf %sub3A_17, %sub3A_17 : vector<1040x1040xf32>
    %add3A = arith.addf %mul3A, %mul3A_22 : vector<1040x1040xf32>
    %mul3A_23 = arith.mulf %sub3A_21, %sub3A_21 : vector<1040x1040xf32>
    %add3A_24 = arith.addf %add3A, %mul3A_23 : vector<1040x1040xf32>
    %swap3A = arith.constant 0 : index
    %swap3A_25 = arith.constant 0 : index
    %swap3A_26 = arith.constant 0 : index
    %swap3A_27 = vector.load %arg3[%swap3A, %swap3A_25, %swap3A_26] : memref<1x1040x1040xf32, #tpu.memory_space<vmem>>, vector<1x1040x1040xf32>
    %swap3A_28 = vector.shape_cast %swap3A_27 : vector<1x1040x1040xf32> to vector<1040x1040xf32>
    %swap3A_29 = vector.shape_cast %add3A_24 : vector<1040x1040xf32> to vector<1x1040x1040xf32>
    tpu.vector_store %arg3[%swap3A, %swap3A_25, %swap3A_26], %swap3A_29 {strides = array<i32>} : memref<1x1040x1040xf32, #tpu.memory_space<vmem>>, vector<1x1040x1040xf32>,
    %iota3A = tpu.iota {dimensions = array<i32: 1>} : vector<1040x256xi32>
    %and3A = arith.constant 127 : i32
    %and3A_30 = vector.broadcast %and3A : i32 to vector<1040x256xi32>
    %and3A_31 = arith.andi %iota3A, %and3A_30 : vector<1040x256xi32>
    %shift_right_arithmetic3A = arith.constant 1 : i32
    %shift_right_arithmetic3A_32 = vector.broadcast %shift_right_arithmetic3A : i32 to vector<1040x256xi32>
    %shift_right_arithmetic3A_33 = arith.shrsi %and3A_31, %shift_right_arithmetic3A_32 : vector<1040x256xi32>
    %convert_element_type3A = arith.sitofp %shift_right_arithmetic3A_33 : vector<1040x256xi32> to vector<1040x256xf32>
    %mul3A_34 = arith.constant -0.14391157 : f32
    %mul3A_35 = vector.broadcast %mul3A_34 : f32 to vector<1040x256xf32>
    %mul3A_36 = arith.mulf %convert_element_type3A, %mul3A_35 : vector<1040x256xf32>
    %exp3A = math.exp %mul3A_36 : vector<1040x256xf32>
    %lt3A = arith.constant 128 : i32
    %lt3A_37 = vector.broadcast %lt3A : i32 to vector<1040x256xi32>
    %lt3A_38 = arith.cmpi slt, %iota3A, %lt3A_37 : vector<1040x256xi32>
    %broadcast_in_dim3A = vector.shape_cast %slice3A_9 : vector<1040x1xf32> to vector<1040x1xf32>
    %broadcast_in_dim3A_39 = vector.broadcast %broadcast_in_dim3A : vector<1040x1xf32> to vector<1040x256xf32>
    %broadcast_in_dim3A_40 = vector.shape_cast %slice3A : vector<1040x1xf32> to vector<1040x1xf32>
    %broadcast_in_dim3A_41 = vector.broadcast %broadcast_in_dim3A_40 : vector<1040x1xf32> to vector<1040x256xf32>
    %select_n3A = arith.select %lt3A_38, %broadcast_in_dim3A_39, %broadcast_in_dim3A_41 : vector<1040x256xi1>, vector<1040x256xf32>
    %mul3A_42 = arith.constant 6.28318548 : f32
    %mul3A_43 = vector.broadcast %mul3A_42 : f32 to vector<1040x256xf32>
    %mul3A_44 = arith.mulf %select_n3A, %mul3A_43 : vector<1040x256xf32>
    %mul3A_45 = arith.mulf %mul3A_44, %exp3A : vector<1040x256xf32>
    %and3A_46 = arith.constant 1 : i32
    %and3A_47 = vector.broadcast %and3A_46 : i32 to vector<1040x256xi32>
    %and3A_48 = arith.andi %and3A_31, %and3A_47 : vector<1040x256xi32>
    %eq3A = arith.constant 0 : i32
    %eq3A_49 = vector.broadcast %eq3A : i32 to vector<1040x256xi32>
    %eq3A_50 = arith.cmpi eq, %and3A_48, %eq3A_49 : vector<1040x256xi32>
    %sin3A = math.sin %mul3A_45 : vector<1040x256xf32>
    %cos3A = math.cos %mul3A_45 : vector<1040x256xf32>
    %select_n3A_51 = arith.select %eq3A_50, %sin3A, %cos3A : vector<1040x256xi1>, vector<1040x256xf32>
    %swap3A_52 = arith.constant 0 : index
    %swap3A_53 = arith.constant 0 : index
    %swap3A_54 = arith.constant 0 : index
    %swap3A_55 = vector.load %arg4[%swap3A_52, %swap3A_53, %swap3A_54] : memref<1x1040x256xf32, #tpu.memory_space<vmem>>, vector<1x1040x256xf32>
    %swap3A_56 = vector.shape_cast %swap3A_55 : vector<1x1040x256xf32> to vector<1040x256xf32>
    %swap3A_57 = vector.shape_cast %select_n3A_51 : vector<1040x256xf32> to vector<1x1040x256xf32>
    tpu.vector_store %arg4[%swap3A_52, %swap3A_53, %swap3A_54], %swap3A_57 {strides = array<i32>} : memref<1x1040x256xf32, #tpu.memory_space<vmem>>, vector<1x1040x256xf32>,
    return
  }
  func.func @transform_0(%arg0: i32) -> (i32, i32, i32) {
    %c0_i32 = arith.constant 0 : i32
    %c0_i32_0 = arith.constant 0 : i32
    %c0_i32_1 = arith.constant 0 : i32
    return %arg0, %c0_i32, %c0_i32_0 : i32, i32, i32
  }
  func.func @transform_1(%arg0: i32) -> (i32, i32, i32) {
    %c0_i32 = arith.constant 0 : i32
    %c0_i32_0 = arith.constant 0 : i32
    %c0_i32_1 = arith.constant 0 : i32
    return %arg0, %c0_i32, %c0_i32_0 : i32, i32, i32
  }
  func.func @transform_2(%arg0: i32) -> (i32, i32, i32) {
    %c0_i32 = arith.constant 0 : i32
    %c0_i32_0 = arith.constant 0 : i32
    %c0_i32_1 = arith.constant 0 : i32
    return %arg0, %c0_i32, %c0_i32_0 : i32, i32, i32
  }
  func.func @transform_3(%arg0: i32) -> (i32, i32, i32) {
    %c0_i32 = arith.constant 0 : i32
    %c0_i32_0 = arith.constant 0 : i32
    %c0_i32_1 = arith.constant 0 : i32
    return %arg0, %c0_i32, %c0_i32_0 : i32, i32, i32
  }
}

module attributes {stable_mosaic.version = 14 : i64} {
  func.func @_obj_pn_body(%arg0: memref<6144x32xf32, #tpu.memory_space<vmem>>, %arg1: memref<32x256xf32, #tpu.memory_space<vmem>>, %arg2: memref<1x256xf32, #tpu.memory_space<vmem>>, %arg3: memref<512x256xf32, #tpu.memory_space<vmem>>, %arg4: memref<1x256xf32, #tpu.memory_space<vmem>>, %arg5: memref<256x256xf32, #tpu.memory_space<vmem>>, %arg6: memref<1x256xf32, #tpu.memory_space<vmem>>, %arg7: memref<256x256xf32, #tpu.memory_space<vmem>>, %arg8: memref<1x256xf32, #tpu.memory_space<vmem>>, %arg9: memref<256x256xf32, #tpu.memory_space<vmem>>, %arg10: memref<1x256xf32, #tpu.memory_space<vmem>>, %arg11: memref<6144x256xf32, #tpu.memory_space<vmem>>) attributes {dimension_semantics = [], scalar_prefetch = 0 : i64, scratch_operands = 0 : i64, tpu.core_type = #tpu.core_type<tc>} {
    %get3A = arith.constant 0 : index
    %get3A_0 = arith.constant 0 : index
    %get3A_1 = vector.load %arg0[%get3A, %get3A_0] : memref<6144x32xf32, #tpu.memory_space<vmem>>, vector<6144x32xf32>
    %get3A_2 = arith.constant 0 : index
    %get3A_3 = arith.constant 0 : index
    %get3A_4 = vector.load %arg1[%get3A_2, %get3A_3] : memref<32x256xf32, #tpu.memory_space<vmem>>, vector<32x256xf32>
    %dot_general3A = arith.constant dense<0.000000e+00> : vector<6144x256xf32>
    %dot_general3A_5 = tpu.matmul %get3A_1, %get3A_4, %dot_general3A {dimension_numbers = #tpu.dot_dimension_numbers<[1], [0], [0], [1], [0, 0, 1, 1], [], []>, transpose_lhs_hint = false} : vector<6144x32xf32>, vector<32x256xf32>, vector<6144x256xf32> -> vector<6144x256xf32>
    %get3A_6 = arith.constant 0 : index
    %get3A_7 = arith.constant 0 : index
    %get3A_8 = vector.load %arg2[%get3A_6, %get3A_7] : memref<1x256xf32, #tpu.memory_space<vmem>>, vector<1x256xf32>
    %add3A = vector.broadcast %get3A_8 : vector<1x256xf32> to vector<6144x256xf32>
    %add3A_9 = arith.addf %dot_general3A_5, %add3A : vector<6144x256xf32>
    %max3A = arith.constant 0.000000e+00 : f32
    %max3A_10 = vector.broadcast %max3A : f32 to vector<6144x256xf32>
    %max3A_11 = arith.maximumf %add3A_9, %max3A_10 : vector<6144x256xf32>
    %iota3A = tpu.iota {dimensions = array<i32: 0>} : vector<6144x256xi32>
    %and3A = arith.constant 15 : i32
    %and3A_12 = vector.broadcast %and3A : i32 to vector<6144x256xi32>
    %and3A_13 = arith.andi %iota3A, %and3A_12 : vector<6144x256xi32>
    %lt3A = arith.constant 11 : i32
    %lt3A_14 = vector.broadcast %lt3A : i32 to vector<6144x256xi32>
    %lt3A_15 = arith.cmpi slt, %and3A_13, %lt3A_14 : vector<6144x256xi32>
    %jit3A = arith.constant 0.000000e+00 : f32
    %broadcast_in_dim3A = vector.broadcast %jit3A : f32 to vector<6144x256xf32>
    %select_n3A = arith.select %lt3A_15, %max3A_11, %broadcast_in_dim3A : vector<6144x256xi1>, vector<6144x256xf32>
    %reshape3A = vector.shape_cast %select_n3A : vector<6144x256xf32> to vector<384x16x256xf32>
    %reduce_max3A = arith.constant dense<0xFF800000> : vector<384x256xf32>
    %reduce_max3A_16 = vector.multi_reduction <maximumf>, %reshape3A, %reduce_max3A [1] : vector<384x16x256xf32> to vector<384x256xf32>
    %broadcast_in_dim3A_17 = vector.shape_cast %reduce_max3A_16 : vector<384x256xf32> to vector<384x1x256xf32>
    %broadcast_in_dim3A_18 = vector.shape_cast %broadcast_in_dim3A_17 : vector<384x1x256xf32> to vector<384x1x256xf32>
    %broadcast_in_dim3A_19 = vector.broadcast %broadcast_in_dim3A_18 : vector<384x1x256xf32> to vector<384x16x256xf32>
    %reshape3A_20 = vector.shape_cast %broadcast_in_dim3A_19 : vector<384x16x256xf32> to vector<6144x256xf32>
    %concatenate3A = tpu.concatenate %max3A_11, %reshape3A_20 in 1 : vector<6144x256xf32>, vector<6144x256xf32> -> vector<6144x512xf32>
    %get3A_21 = arith.constant 0 : index
    %get3A_22 = arith.constant 0 : index
    %get3A_23 = vector.load %arg3[%get3A_21, %get3A_22] : memref<512x256xf32, #tpu.memory_space<vmem>>, vector<512x256xf32>
    %dot_general3A_24 = arith.constant dense<0.000000e+00> : vector<6144x256xf32>
    %dot_general3A_25 = tpu.matmul %concatenate3A, %get3A_23, %dot_general3A_24 {dimension_numbers = #tpu.dot_dimension_numbers<[1], [0], [0], [1], [0, 0, 1, 1], [], []>, transpose_lhs_hint = false} : vector<6144x512xf32>, vector<512x256xf32>, vector<6144x256xf32> -> vector<6144x256xf32>
    %get3A_26 = arith.constant 0 : index
    %get3A_27 = arith.constant 0 : index
    %get3A_28 = vector.load %arg4[%get3A_26, %get3A_27] : memref<1x256xf32, #tpu.memory_space<vmem>>, vector<1x256xf32>
    %add3A_29 = vector.broadcast %get3A_28 : vector<1x256xf32> to vector<6144x256xf32>
    %add3A_30 = arith.addf %dot_general3A_25, %add3A_29 : vector<6144x256xf32>
    %max3A_31 = arith.constant 0.000000e+00 : f32
    %max3A_32 = vector.broadcast %max3A_31 : f32 to vector<6144x256xf32>
    %max3A_33 = arith.maximumf %add3A_30, %max3A_32 : vector<6144x256xf32>
    %get3A_34 = arith.constant 0 : index
    %get3A_35 = arith.constant 0 : index
    %get3A_36 = vector.load %arg5[%get3A_34, %get3A_35] : memref<256x256xf32, #tpu.memory_space<vmem>>, vector<256x256xf32>
    %dot_general3A_37 = arith.constant dense<0.000000e+00> : vector<6144x256xf32>
    %dot_general3A_38 = tpu.matmul %max3A_33, %get3A_36, %dot_general3A_37 {dimension_numbers = #tpu.dot_dimension_numbers<[1], [0], [0], [1], [0, 0, 1, 1], [], []>, transpose_lhs_hint = false} : vector<6144x256xf32>, vector<256x256xf32>, vector<6144x256xf32> -> vector<6144x256xf32>
    %get3A_39 = arith.constant 0 : index
    %get3A_40 = arith.constant 0 : index
    %get3A_41 = vector.load %arg6[%get3A_39, %get3A_40] : memref<1x256xf32, #tpu.memory_space<vmem>>, vector<1x256xf32>
    %add3A_42 = vector.broadcast %get3A_41 : vector<1x256xf32> to vector<6144x256xf32>
    %add3A_43 = arith.addf %dot_general3A_38, %add3A_42 : vector<6144x256xf32>
    %max3A_44 = arith.constant 0.000000e+00 : f32
    %max3A_45 = vector.broadcast %max3A_44 : f32 to vector<6144x256xf32>
    %max3A_46 = arith.maximumf %add3A_43, %max3A_45 : vector<6144x256xf32>
    %get3A_47 = arith.constant 0 : index
    %get3A_48 = arith.constant 0 : index
    %get3A_49 = vector.load %arg7[%get3A_47, %get3A_48] : memref<256x256xf32, #tpu.memory_space<vmem>>, vector<256x256xf32>
    %dot_general3A_50 = arith.constant dense<0.000000e+00> : vector<6144x256xf32>
    %dot_general3A_51 = tpu.matmul %max3A_46, %get3A_49, %dot_general3A_50 {dimension_numbers = #tpu.dot_dimension_numbers<[1], [0], [0], [1], [0, 0, 1, 1], [], []>, transpose_lhs_hint = false} : vector<6144x256xf32>, vector<256x256xf32>, vector<6144x256xf32> -> vector<6144x256xf32>
    %get3A_52 = arith.constant 0 : index
    %get3A_53 = arith.constant 0 : index
    %get3A_54 = vector.load %arg8[%get3A_52, %get3A_53] : memref<1x256xf32, #tpu.memory_space<vmem>>, vector<1x256xf32>
    %add3A_55 = vector.broadcast %get3A_54 : vector<1x256xf32> to vector<6144x256xf32>
    %add3A_56 = arith.addf %dot_general3A_51, %add3A_55 : vector<6144x256xf32>
    %max3A_57 = arith.constant 0.000000e+00 : f32
    %max3A_58 = vector.broadcast %max3A_57 : f32 to vector<6144x256xf32>
    %max3A_59 = arith.maximumf %add3A_56, %max3A_58 : vector<6144x256xf32>
    %get3A_60 = arith.constant 0 : index
    %get3A_61 = arith.constant 0 : index
    %get3A_62 = vector.load %arg9[%get3A_60, %get3A_61] : memref<256x256xf32, #tpu.memory_space<vmem>>, vector<256x256xf32>
    %dot_general3A_63 = arith.constant dense<0.000000e+00> : vector<6144x256xf32>
    %dot_general3A_64 = tpu.matmul %max3A_59, %get3A_62, %dot_general3A_63 {dimension_numbers = #tpu.dot_dimension_numbers<[1], [0], [0], [1], [0, 0, 1, 1], [], []>, transpose_lhs_hint = false} : vector<6144x256xf32>, vector<256x256xf32>, vector<6144x256xf32> -> vector<6144x256xf32>
    %get3A_65 = arith.constant 0 : index
    %get3A_66 = arith.constant 0 : index
    %get3A_67 = vector.load %arg10[%get3A_65, %get3A_66] : memref<1x256xf32, #tpu.memory_space<vmem>>, vector<1x256xf32>
    %add3A_68 = vector.broadcast %get3A_67 : vector<1x256xf32> to vector<6144x256xf32>
    %add3A_69 = arith.addf %dot_general3A_64, %add3A_68 : vector<6144x256xf32>
    %swap3A = arith.constant 0 : index
    %swap3A_70 = arith.constant 0 : index
    %swap3A_71 = vector.load %arg11[%swap3A, %swap3A_70] : memref<6144x256xf32, #tpu.memory_space<vmem>>, vector<6144x256xf32>
    tpu.vector_store %arg11[%swap3A, %swap3A_70], %add3A_69 {strides = array<i32>} : memref<6144x256xf32, #tpu.memory_space<vmem>>, vector<6144x256xf32>,
    return
  }
}

module attributes {stable_mosaic.version = 14 : i64} {
  func.func @_map_pn_body(%arg0: i32, %arg1: memref<1x12288x16xf32, #tpu.memory_space<vmem>>, %arg2: memref<16x64xf32, #tpu.memory_space<vmem>>, %arg3: memref<1x64xf32, #tpu.memory_space<vmem>>, %arg4: memref<64x64xf32, #tpu.memory_space<vmem>>, %arg5: memref<1x64xf32, #tpu.memory_space<vmem>>, %arg6: memref<64x64xf32, #tpu.memory_space<vmem>>, %arg7: memref<1x64xf32, #tpu.memory_space<vmem>>, %arg8: memref<128x64xf32, #tpu.memory_space<vmem>>, %arg9: memref<1x64xf32, #tpu.memory_space<vmem>>, %arg10: memref<64x64xf32, #tpu.memory_space<vmem>>, %arg11: memref<1x64xf32, #tpu.memory_space<vmem>>, %arg12: memref<64x64xf32, #tpu.memory_space<vmem>>, %arg13: memref<1x64xf32, #tpu.memory_space<vmem>>, %arg14: memref<64x256xf32, #tpu.memory_space<vmem>>, %arg15: memref<1x256xf32, #tpu.memory_space<vmem>>, %arg16: memref<1x512x256xf32, #tpu.memory_space<vmem>>) attributes {dimension_semantics = [#tpu.dimension_semantics<arbitrary>], iteration_bounds = array<i64: 8>, scalar_prefetch = 0 : i64, scratch_operands = 0 : i64, tpu.core_type = #tpu.core_type<tc>, window_params = [{transform_indices = @transform_0, window_bounds = array<i64: 1, 12288, 16>}, {pipeline_mode = #tpu.pipeline_mode<synchronous>, transform_indices = @transform_1, window_bounds = array<i64: 16, 64>}, {pipeline_mode = #tpu.pipeline_mode<synchronous>, transform_indices = @transform_2, window_bounds = array<i64: 1, 64>}, {pipeline_mode = #tpu.pipeline_mode<synchronous>, transform_indices = @transform_3, window_bounds = array<i64: 64, 64>}, {pipeline_mode = #tpu.pipeline_mode<synchronous>, transform_indices = @transform_4, window_bounds = array<i64: 1, 64>}, {pipeline_mode = #tpu.pipeline_mode<synchronous>, transform_indices = @transform_5, window_bounds = array<i64: 64, 64>}, {pipeline_mode = #tpu.pipeline_mode<synchronous>, transform_indices = @transform_6, window_bounds = array<i64: 1, 64>}, {pipeline_mode = #tpu.pipeline_mode<synchronous>, transform_indices = @transform_7, window_bounds = array<i64: 128, 64>}, {pipeline_mode = #tpu.pipeline_mode<synchronous>, transform_indices = @transform_8, window_bounds = array<i64: 1, 64>}, {pipeline_mode = #tpu.pipeline_mode<synchronous>, transform_indices = @transform_9, window_bounds = array<i64: 64, 64>}, {pipeline_mode = #tpu.pipeline_mode<synchronous>, transform_indices = @transform_10, window_bounds = array<i64: 1, 64>}, {pipeline_mode = #tpu.pipeline_mode<synchronous>, transform_indices = @transform_11, window_bounds = array<i64: 64, 64>}, {pipeline_mode = #tpu.pipeline_mode<synchronous>, transform_indices = @transform_12, window_bounds = array<i64: 1, 64>}, {pipeline_mode = #tpu.pipeline_mode<synchronous>, transform_indices = @transform_13, window_bounds = array<i64: 64, 256>}, {pipeline_mode = #tpu.pipeline_mode<synchronous>, transform_indices = @transform_14, window_bounds = array<i64: 1, 256>}, {transform_indices = @transform_15, window_bounds = array<i64: 1, 512, 256>}]} {
    %get3A = arith.constant 0 : index
    %get3A_0 = arith.constant 0 : index
    %get3A_1 = arith.constant 0 : index
    %get3A_2 = vector.load %arg1[%get3A, %get3A_0, %get3A_1] : memref<1x12288x16xf32, #tpu.memory_space<vmem>>, vector<1x12288x16xf32>
    %get3A_3 = vector.shape_cast %get3A_2 : vector<1x12288x16xf32> to vector<12288x16xf32>
    %get3A_4 = arith.constant 0 : index
    %get3A_5 = arith.constant 0 : index
    %get3A_6 = vector.load %arg2[%get3A_4, %get3A_5] : memref<16x64xf32, #tpu.memory_space<vmem>>, vector<16x64xf32>
    %dot_general3A = arith.constant dense<0.000000e+00> : vector<12288x64xf32>
    %dot_general3A_7 = tpu.matmul %get3A_3, %get3A_6, %dot_general3A {dimension_numbers = #tpu.dot_dimension_numbers<[1], [0], [0], [1], [0, 0, 1, 1], [], []>, transpose_lhs_hint = false} : vector<12288x16xf32>, vector<16x64xf32>, vector<12288x64xf32> -> vector<12288x64xf32>
    %get3A_8 = arith.constant 0 : index
    %get3A_9 = arith.constant 0 : index
    %get3A_10 = vector.load %arg3[%get3A_8, %get3A_9] : memref<1x64xf32, #tpu.memory_space<vmem>>, vector<1x64xf32>
    %add3A = vector.broadcast %get3A_10 : vector<1x64xf32> to vector<12288x64xf32>
    %add3A_11 = arith.addf %dot_general3A_7, %add3A : vector<12288x64xf32>
    %max3A = arith.constant 0.000000e+00 : f32
    %max3A_12 = vector.broadcast %max3A : f32 to vector<12288x64xf32>
    %max3A_13 = arith.maximumf %add3A_11, %max3A_12 : vector<12288x64xf32>
    %get3A_14 = arith.constant 0 : index
    %get3A_15 = arith.constant 0 : index
    %get3A_16 = vector.load %arg4[%get3A_14, %get3A_15] : memref<64x64xf32, #tpu.memory_space<vmem>>, vector<64x64xf32>
    %dot_general3A_17 = arith.constant dense<0.000000e+00> : vector<12288x64xf32>
    %dot_general3A_18 = tpu.matmul %max3A_13, %get3A_16, %dot_general3A_17 {dimension_numbers = #tpu.dot_dimension_numbers<[1], [0], [0], [1], [0, 0, 1, 1], [], []>, transpose_lhs_hint = false} : vector<12288x64xf32>, vector<64x64xf32>, vector<12288x64xf32> -> vector<12288x64xf32>
    %get3A_19 = arith.constant 0 : index
    %get3A_20 = arith.constant 0 : index
    %get3A_21 = vector.load %arg5[%get3A_19, %get3A_20] : memref<1x64xf32, #tpu.memory_space<vmem>>, vector<1x64xf32>
    %add3A_22 = vector.broadcast %get3A_21 : vector<1x64xf32> to vector<12288x64xf32>
    %add3A_23 = arith.addf %dot_general3A_18, %add3A_22 : vector<12288x64xf32>
    %max3A_24 = arith.constant 0.000000e+00 : f32
    %max3A_25 = vector.broadcast %max3A_24 : f32 to vector<12288x64xf32>
    %max3A_26 = arith.maximumf %add3A_23, %max3A_25 : vector<12288x64xf32>
    %get3A_27 = arith.constant 0 : index
    %get3A_28 = arith.constant 0 : index
    %get3A_29 = vector.load %arg6[%get3A_27, %get3A_28] : memref<64x64xf32, #tpu.memory_space<vmem>>, vector<64x64xf32>
    %dot_general3A_30 = arith.constant dense<0.000000e+00> : vector<12288x64xf32>
    %dot_general3A_31 = tpu.matmul %max3A_26, %get3A_29, %dot_general3A_30 {dimension_numbers = #tpu.dot_dimension_numbers<[1], [0], [0], [1], [0, 0, 1, 1], [], []>, transpose_lhs_hint = false} : vector<12288x64xf32>, vector<64x64xf32>, vector<12288x64xf32> -> vector<12288x64xf32>
    %get3A_32 = arith.constant 0 : index
    %get3A_33 = arith.constant 0 : index
    %get3A_34 = vector.load %arg7[%get3A_32, %get3A_33] : memref<1x64xf32, #tpu.memory_space<vmem>>, vector<1x64xf32>
    %add3A_35 = vector.broadcast %get3A_34 : vector<1x64xf32> to vector<12288x64xf32>
    %add3A_36 = arith.addf %dot_general3A_31, %add3A_35 : vector<12288x64xf32>
    %max3A_37 = arith.constant 0.000000e+00 : f32
    %max3A_38 = vector.broadcast %max3A_37 : f32 to vector<12288x64xf32>
    %max3A_39 = arith.maximumf %add3A_36, %max3A_38 : vector<12288x64xf32>
    %iota3A = tpu.iota {dimensions = array<i32: 0>} : vector<12288x64xi32>
    %jit3A = arith.constant 24 : i32
    %eq3A = arith.constant 0 : i32
    %eq3A_40 = arith.cmpi eq, %jit3A, %eq3A : i32
    %jit3A_41 = arith.constant 1 : i32
    %select_n3A = arith.select %eq3A_40, %jit3A_41, %jit3A : i32
    %rem3A = vector.broadcast %select_n3A : i32 to vector<12288x64xi32>
    %rem3A_42 = arith.remsi %iota3A, %rem3A : vector<12288x64xi32>
    %ne3A = arith.constant 0 : i32
    %ne3A_43 = vector.broadcast %ne3A : i32 to vector<12288x64xi32>
    %ne3A_44 = arith.cmpi ne, %rem3A_42, %ne3A_43 : vector<12288x64xi32>
    %lt3A = arith.constant 0 : i32
    %lt3A_45 = vector.broadcast %lt3A : i32 to vector<12288x64xi32>
    %lt3A_46 = arith.cmpi slt, %rem3A_42, %lt3A_45 : vector<12288x64xi32>
    %lt3A_47 = arith.constant 0 : i32
    %lt3A_48 = arith.cmpi slt, %select_n3A, %lt3A_47 : i32
    %ne3A_49 = vector.broadcast %lt3A_48 : i1 to vector<12288x64xi1>
    %ne3A_50 = vector.broadcast %ne3A_49 : vector<12288x64xi1> to vector<12288x64xi1>
    %ne3A_51 = arith.xori %lt3A_46, %ne3A_50 : vector<12288x64xi1>
    %and3A = arith.andi %ne3A_51, %ne3A_44 : vector<12288x64xi1>
    %add3A_52 = vector.broadcast %select_n3A : i32 to vector<12288x64xi32>
    %add3A_53 = arith.addi %rem3A_42, %add3A_52 : vector<12288x64xi32>
    %select_n3A_54 = arith.select %and3A, %add3A_53, %rem3A_42 : vector<12288x64xi1>, vector<12288x64xi32>
    %lt3A_55 = arith.constant 20 : i32
    %lt3A_56 = vector.broadcast %lt3A_55 : i32 to vector<12288x64xi32>
    %lt3A_57 = arith.cmpi slt, %select_n3A_54, %lt3A_56 : vector<12288x64xi32>
    %jit3A_58 = arith.constant 0.000000e+00 : f32
    %broadcast_in_dim3A = vector.broadcast %jit3A_58 : f32 to vector<12288x64xf32>
    %select_n3A_59 = arith.select %lt3A_57, %max3A_39, %broadcast_in_dim3A : vector<12288x64xi1>, vector<12288x64xf32>
    %reshape3A = vector.shape_cast %select_n3A_59 : vector<12288x64xf32> to vector<512x24x64xf32>
    %reduce_max3A = arith.constant dense<0xFF800000> : vector<512x64xf32>
    %reduce_max3A_60 = vector.multi_reduction <maximumf>, %reshape3A, %reduce_max3A [1] : vector<512x24x64xf32> to vector<512x64xf32>
    %broadcast_in_dim3A_61 = vector.shape_cast %reduce_max3A_60 : vector<512x64xf32> to vector<512x1x64xf32>
    %broadcast_in_dim3A_62 = vector.shape_cast %broadcast_in_dim3A_61 : vector<512x1x64xf32> to vector<512x1x64xf32>
    %broadcast_in_dim3A_63 = vector.broadcast %broadcast_in_dim3A_62 : vector<512x1x64xf32> to vector<512x24x64xf32>
    %reshape3A_64 = vector.shape_cast %broadcast_in_dim3A_63 : vector<512x24x64xf32> to vector<12288x64xf32>
    %concatenate3A = tpu.concatenate %max3A_39, %reshape3A_64 in 1 : vector<12288x64xf32>, vector<12288x64xf32> -> vector<12288x128xf32>
    %get3A_65 = arith.constant 0 : index
    %get3A_66 = arith.constant 0 : index
    %get3A_67 = vector.load %arg8[%get3A_65, %get3A_66] : memref<128x64xf32, #tpu.memory_space<vmem>>, vector<128x64xf32>
    %dot_general3A_68 = arith.constant dense<0.000000e+00> : vector<12288x64xf32>
    %dot_general3A_69 = tpu.matmul %concatenate3A, %get3A_67, %dot_general3A_68 {dimension_numbers = #tpu.dot_dimension_numbers<[1], [0], [0], [1], [0, 0, 1, 1], [], []>, transpose_lhs_hint = false} : vector<12288x128xf32>, vector<128x64xf32>, vector<12288x64xf32> -> vector<12288x64xf32>
    %get3A_70 = arith.constant 0 : index
    %get3A_71 = arith.constant 0 : index
    %get3A_72 = vector.load %arg9[%get3A_70, %get3A_71] : memref<1x64xf32, #tpu.memory_space<vmem>>, vector<1x64xf32>
    %add3A_73 = vector.broadcast %get3A_72 : vector<1x64xf32> to vector<12288x64xf32>
    %add3A_74 = arith.addf %dot_general3A_69, %add3A_73 : vector<12288x64xf32>
    %max3A_75 = arith.constant 0.000000e+00 : f32
    %max3A_76 = vector.broadcast %max3A_75 : f32 to vector<12288x64xf32>
    %max3A_77 = arith.maximumf %add3A_74, %max3A_76 : vector<12288x64xf32>
    %get3A_78 = arith.constant 0 : index
    %get3A_79 = arith.constant 0 : index
    %get3A_80 = vector.load %arg10[%get3A_78, %get3A_79] : memref<64x64xf32, #tpu.memory_space<vmem>>, vector<64x64xf32>
    %dot_general3A_81 = arith.constant dense<0.000000e+00> : vector<12288x64xf32>
    %dot_general3A_82 = tpu.matmul %max3A_77, %get3A_80, %dot_general3A_81 {dimension_numbers = #tpu.dot_dimension_numbers<[1], [0], [0], [1], [0, 0, 1, 1], [], []>, transpose_lhs_hint = false} : vector<12288x64xf32>, vector<64x64xf32>, vector<12288x64xf32> -> vector<12288x64xf32>
    %get3A_83 = arith.constant 0 : index
    %get3A_84 = arith.constant 0 : index
    %get3A_85 = vector.load %arg11[%get3A_83, %get3A_84] : memref<1x64xf32, #tpu.memory_space<vmem>>, vector<1x64xf32>
    %add3A_86 = vector.broadcast %get3A_85 : vector<1x64xf32> to vector<12288x64xf32>
    %add3A_87 = arith.addf %dot_general3A_82, %add3A_86 : vector<12288x64xf32>
    %max3A_88 = arith.constant 0.000000e+00 : f32
    %max3A_89 = vector.broadcast %max3A_88 : f32 to vector<12288x64xf32>
    %max3A_90 = arith.maximumf %add3A_87, %max3A_89 : vector<12288x64xf32>
    %lt3A_91 = arith.constant 20 : i32
    %lt3A_92 = vector.broadcast %lt3A_91 : i32 to vector<12288x64xi32>
    %lt3A_93 = arith.cmpi slt, %select_n3A_54, %lt3A_92 : vector<12288x64xi32>
    %jit3A_94 = arith.constant 0.000000e+00 : f32
    %broadcast_in_dim3A_95 = vector.broadcast %jit3A_94 : f32 to vector<12288x64xf32>
    %select_n3A_96 = arith.select %lt3A_93, %max3A_90, %broadcast_in_dim3A_95 : vector<12288x64xi1>, vector<12288x64xf32>
    %reshape3A_97 = vector.shape_cast %select_n3A_96 : vector<12288x64xf32> to vector<512x24x64xf32>
    %reduce_max3A_98 = arith.constant dense<0xFF800000> : vector<512x64xf32>
    %reduce_max3A_99 = vector.multi_reduction <maximumf>, %reshape3A_97, %reduce_max3A_98 [1] : vector<512x24x64xf32> to vector<512x64xf32>
    %get3A_100 = arith.constant 0 : index
    %get3A_101 = arith.constant 0 : index
    %get3A_102 = vector.load %arg12[%get3A_100, %get3A_101] : memref<64x64xf32, #tpu.memory_space<vmem>>, vector<64x64xf32>
    %dot_general3A_103 = arith.constant dense<0.000000e+00> : vector<512x64xf32>
    %dot_general3A_104 = tpu.matmul %reduce_max3A_99, %get3A_102, %dot_general3A_103 {dimension_numbers = #tpu.dot_dimension_numbers<[1], [0], [0], [1], [0, 0, 1, 1], [], []>, transpose_lhs_hint = false} : vector<512x64xf32>, vector<64x64xf32>, vector<512x64xf32> -> vector<512x64xf32>
    %get3A_105 = arith.constant 0 : index
    %get3A_106 = arith.constant 0 : index
    %get3A_107 = vector.load %arg13[%get3A_105, %get3A_106] : memref<1x64xf32, #tpu.memory_space<vmem>>, vector<1x64xf32>
    %add3A_108 = vector.broadcast %get3A_107 : vector<1x64xf32> to vector<512x64xf32>
    %add3A_109 = arith.addf %dot_general3A_104, %add3A_108 : vector<512x64xf32>
    %max3A_110 = arith.constant 0.000000e+00 : f32
    %max3A_111 = vector.broadcast %max3A_110 : f32 to vector<512x64xf32>
    %max3A_112 = arith.maximumf %add3A_109, %max3A_111 : vector<512x64xf32>
    %get3A_113 = arith.constant 0 : index
    %get3A_114 = arith.constant 0 : index
    %get3A_115 = vector.load %arg14[%get3A_113, %get3A_114] : memref<64x256xf32, #tpu.memory_space<vmem>>, vector<64x256xf32>
    %dot_general3A_116 = arith.constant dense<0.000000e+00> : vector<512x256xf32>
    %dot_general3A_117 = tpu.matmul %max3A_112, %get3A_115, %dot_general3A_116 {dimension_numbers = #tpu.dot_dimension_numbers<[1], [0], [0], [1], [0, 0, 1, 1], [], []>, transpose_lhs_hint = false} : vector<512x64xf32>, vector<64x256xf32>, vector<512x256xf32> -> vector<512x256xf32>
    %get3A_118 = arith.constant 0 : index
    %get3A_119 = arith.constant 0 : index
    %get3A_120 = vector.load %arg15[%get3A_118, %get3A_119] : memref<1x256xf32, #tpu.memory_space<vmem>>, vector<1x256xf32>
    %add3A_121 = vector.broadcast %get3A_120 : vector<1x256xf32> to vector<512x256xf32>
    %add3A_122 = arith.addf %dot_general3A_117, %add3A_121 : vector<512x256xf32>
    %swap3A = arith.constant 0 : index
    %swap3A_123 = arith.constant 0 : index
    %swap3A_124 = arith.constant 0 : index
    %swap3A_125 = vector.load %arg16[%swap3A, %swap3A_123, %swap3A_124] : memref<1x512x256xf32, #tpu.memory_space<vmem>>, vector<1x512x256xf32>
    %swap3A_126 = vector.shape_cast %swap3A_125 : vector<1x512x256xf32> to vector<512x256xf32>
    %swap3A_127 = vector.shape_cast %add3A_122 : vector<512x256xf32> to vector<1x512x256xf32>
    tpu.vector_store %arg16[%swap3A, %swap3A_123, %swap3A_124], %swap3A_127 {strides = array<i32>} : memref<1x512x256xf32, #tpu.memory_space<vmem>>, vector<1x512x256xf32>,
    return
  }
  func.func @transform_0(%arg0: i32) -> (i32, i32, i32) {
    %c0_i32 = arith.constant 0 : i32
    %c0_i32_0 = arith.constant 0 : i32
    %c0_i32_1 = arith.constant 0 : i32
    return %arg0, %c0_i32, %c0_i32_0 : i32, i32, i32
  }
  func.func @transform_1(%arg0: i32) -> (i32, i32) {
    %c0_i32 = arith.constant 0 : i32
    %c0_i32_0 = arith.constant 0 : i32
    %c0_i32_1 = arith.constant 0 : i32
    return %c0_i32, %c0_i32_0 : i32, i32
  }
  func.func @transform_2(%arg0: i32) -> (i32, i32) {
    %c0_i32 = arith.constant 0 : i32
    %c0_i32_0 = arith.constant 0 : i32
    %c0_i32_1 = arith.constant 0 : i32
    return %c0_i32, %c0_i32_0 : i32, i32
  }
  func.func @transform_3(%arg0: i32) -> (i32, i32) {
    %c0_i32 = arith.constant 0 : i32
    %c0_i32_0 = arith.constant 0 : i32
    %c0_i32_1 = arith.constant 0 : i32
    return %c0_i32, %c0_i32_0 : i32, i32
  }
  func.func @transform_4(%arg0: i32) -> (i32, i32) {
    %c0_i32 = arith.constant 0 : i32
    %c0_i32_0 = arith.constant 0 : i32
    %c0_i32_1 = arith.constant 0 : i32
    return %c0_i32, %c0_i32_0 : i32, i32
  }
  func.func @transform_5(%arg0: i32) -> (i32, i32) {
    %c0_i32 = arith.constant 0 : i32
    %c0_i32_0 = arith.constant 0 : i32
    %c0_i32_1 = arith.constant 0 : i32
    return %c0_i32, %c0_i32_0 : i32, i32
  }
  func.func @transform_6(%arg0: i32) -> (i32, i32) {
    %c0_i32 = arith.constant 0 : i32
    %c0_i32_0 = arith.constant 0 : i32
    %c0_i32_1 = arith.constant 0 : i32
    return %c0_i32, %c0_i32_0 : i32, i32
  }
  func.func @transform_7(%arg0: i32) -> (i32, i32) {
    %c0_i32 = arith.constant 0 : i32
    %c0_i32_0 = arith.constant 0 : i32
    %c0_i32_1 = arith.constant 0 : i32
    return %c0_i32, %c0_i32_0 : i32, i32
  }
  func.func @transform_8(%arg0: i32) -> (i32, i32) {
    %c0_i32 = arith.constant 0 : i32
    %c0_i32_0 = arith.constant 0 : i32
    %c0_i32_1 = arith.constant 0 : i32
    return %c0_i32, %c0_i32_0 : i32, i32
  }
  func.func @transform_9(%arg0: i32) -> (i32, i32) {
    %c0_i32 = arith.constant 0 : i32
    %c0_i32_0 = arith.constant 0 : i32
    %c0_i32_1 = arith.constant 0 : i32
    return %c0_i32, %c0_i32_0 : i32, i32
  }
  func.func @transform_10(%arg0: i32) -> (i32, i32) {
    %c0_i32 = arith.constant 0 : i32
    %c0_i32_0 = arith.constant 0 : i32
    %c0_i32_1 = arith.constant 0 : i32
    return %c0_i32, %c0_i32_0 : i32, i32
  }
  func.func @transform_11(%arg0: i32) -> (i32, i32) {
    %c0_i32 = arith.constant 0 : i32
    %c0_i32_0 = arith.constant 0 : i32
    %c0_i32_1 = arith.constant 0 : i32
    return %c0_i32, %c0_i32_0 : i32, i32
  }
  func.func @transform_12(%arg0: i32) -> (i32, i32) {
    %c0_i32 = arith.constant 0 : i32
    %c0_i32_0 = arith.constant 0 : i32
    %c0_i32_1 = arith.constant 0 : i32
    return %c0_i32, %c0_i32_0 : i32, i32
  }
  func.func @transform_13(%arg0: i32) -> (i32, i32) {
    %c0_i32 = arith.constant 0 : i32
    %c0_i32_0 = arith.constant 0 : i32
    %c0_i32_1 = arith.constant 0 : i32
    return %c0_i32, %c0_i32_0 : i32, i32
  }
  func.func @transform_14(%arg0: i32) -> (i32, i32) {
    %c0_i32 = arith.constant 0 : i32
    %c0_i32_0 = arith.constant 0 : i32
    %c0_i32_1 = arith.constant 0 : i32
    return %c0_i32, %c0_i32_0 : i32, i32
  }
  func.func @transform_15(%arg0: i32) -> (i32, i32, i32) {
    %c0_i32 = arith.constant 0 : i32
    %c0_i32_0 = arith.constant 0 : i32
    %c0_i32_1 = arith.constant 0 : i32
    return %arg0, %c0_i32, %c0_i32_0 : i32, i32, i32
  }
}

module attributes {stable_mosaic.version = 14 : i64} {
  func.func @_layer_body(%arg0: i32, %arg1: memref<1x1040x256xf32, #tpu.memory_space<vmem>>, %arg2: memref<1x1040x256xf32, #tpu.memory_space<vmem>>, %arg3: memref<1x1040x1040xf32, #tpu.memory_space<vmem>>, %arg4: memref<256x256xf32, #tpu.memory_space<vmem>>, %arg5: memref<1x256xf32, #tpu.memory_space<vmem>>, %arg6: memref<256x256xf32, #tpu.memory_space<vmem>>, %arg7: memref<1x256xf32, #tpu.memory_space<vmem>>, %arg8: memref<256x256xf32, #tpu.memory_space<vmem>>, %arg9: memref<1x256xf32, #tpu.memory_space<vmem>>, %arg10: memref<256x256xf32, #tpu.memory_space<vmem>>, %arg11: memref<1x256xf32, #tpu.memory_space<vmem>>, %arg12: memref<256x1024xf32, #tpu.memory_space<vmem>>, %arg13: memref<1x1024xf32, #tpu.memory_space<vmem>>, %arg14: memref<1024x256xf32, #tpu.memory_space<vmem>>, %arg15: memref<1x256xf32, #tpu.memory_space<vmem>>, %arg16: memref<1x256xf32, #tpu.memory_space<vmem>>, %arg17: memref<1x256xf32, #tpu.memory_space<vmem>>, %arg18: memref<1x256xf32, #tpu.memory_space<vmem>>, %arg19: memref<1x256xf32, #tpu.memory_space<vmem>>, %arg20: memref<1x1040x256xf32, #tpu.memory_space<vmem>>) attributes {dimension_semantics = [#tpu.dimension_semantics<arbitrary>], iteration_bounds = array<i64: 8>, scalar_prefetch = 0 : i64, scratch_operands = 0 : i64, tpu.core_type = #tpu.core_type<tc>, window_params = [{transform_indices = @transform_0, window_bounds = array<i64: 1, 1040, 256>}, {transform_indices = @transform_1, window_bounds = array<i64: 1, 1040, 256>}, {transform_indices = @transform_2, window_bounds = array<i64: 1, 1040, 1040>}, {pipeline_mode = #tpu.pipeline_mode<synchronous>, transform_indices = @transform_3, window_bounds = array<i64: 256, 256>}, {pipeline_mode = #tpu.pipeline_mode<synchronous>, transform_indices = @transform_4, window_bounds = array<i64: 1, 256>}, {pipeline_mode = #tpu.pipeline_mode<synchronous>, transform_indices = @transform_5, window_bounds = array<i64: 256, 256>}, {pipeline_mode = #tpu.pipeline_mode<synchronous>, transform_indices = @transform_6, window_bounds = array<i64: 1, 256>}, {pipeline_mode = #tpu.pipeline_mode<synchronous>, transform_indices = @transform_7, window_bounds = array<i64: 256, 256>}, {pipeline_mode = #tpu.pipeline_mode<synchronous>, transform_indices = @transform_8, window_bounds = array<i64: 1, 256>}, {pipeline_mode = #tpu.pipeline_mode<synchronous>, transform_indices = @transform_9, window_bounds = array<i64: 256, 256>}, {pipeline_mode = #tpu.pipeline_mode<synchronous>, transform_indices = @transform_10, window_bounds = array<i64: 1, 256>}, {pipeline_mode = #tpu.pipeline_mode<synchronous>, transform_indices = @transform_11, window_bounds = array<i64: 256, 1024>}, {pipeline_mode = #tpu.pipeline_mode<synchronous>, transform_indices = @transform_12, window_bounds = array<i64: 1, 1024>}, {pipeline_mode = #tpu.pipeline_mode<synchronous>, transform_indices = @transform_13, window_bounds = array<i64: 1024, 256>}, {pipeline_mode = #tpu.pipeline_mode<synchronous>, transform_indices = @transform_14, window_bounds = array<i64: 1, 256>}, {pipeline_mode = #tpu.pipeline_mode<synchronous>, transform_indices = @transform_15, window_bounds = array<i64: 1, 256>}, {pipeline_mode = #tpu.pipeline_mode<synchronous>, transform_indices = @transform_16, window_bounds = array<i64: 1, 256>}, {pipeline_mode = #tpu.pipeline_mode<synchronous>, transform_indices = @transform_17, window_bounds = array<i64: 1, 256>}, {pipeline_mode = #tpu.pipeline_mode<synchronous>, transform_indices = @transform_18, window_bounds = array<i64: 1, 256>}, {transform_indices = @transform_19, window_bounds = array<i64: 1, 1040, 256>}]} {
    %get3A = arith.constant 0 : index
    %get3A_0 = arith.constant 0 : index
    %get3A_1 = arith.constant 0 : index
    %get3A_2 = vector.load %arg1[%get3A, %get3A_0, %get3A_1] : memref<1x1040x256xf32, #tpu.memory_space<vmem>>, vector<1x1040x256xf32>
    %get3A_3 = vector.shape_cast %get3A_2 : vector<1x1040x256xf32> to vector<1040x256xf32>
    %get3A_4 = arith.constant 0 : index
    %get3A_5 = arith.constant 0 : index
    %get3A_6 = arith.constant 0 : index
    %get3A_7 = vector.load %arg2[%get3A_4, %get3A_5, %get3A_6] : memref<1x1040x256xf32, #tpu.memory_space<vmem>>, vector<1x1040x256xf32>
    %get3A_8 = vector.shape_cast %get3A_7 : vector<1x1040x256xf32> to vector<1040x256xf32>
    %get3A_9 = arith.constant 0 : index
    %get3A_10 = arith.constant 0 : index
    %get3A_11 = arith.constant 0 : index
    %get3A_12 = vector.load %arg3[%get3A_9, %get3A_10, %get3A_11] : memref<1x1040x1040xf32, #tpu.memory_space<vmem>>, vector<1x1040x1040xf32>
    %get3A_13 = vector.shape_cast %get3A_12 : vector<1x1040x1040xf32> to vector<1040x1040xf32>
    %convert_element_type3A = arith.truncf %get3A_13 : vector<1040x1040xf32> to vector<1040x1040xbf16>
    %add3A = arith.addf %get3A_3, %get3A_8 : vector<1040x256xf32>
    %get3A_14 = arith.constant 0 : index
    %get3A_15 = arith.constant 0 : index
    %get3A_16 = vector.load %arg4[%get3A_14, %get3A_15] : memref<256x256xf32, #tpu.memory_space<vmem>>, vector<256x256xf32>
    %convert_element_type3A_17 = arith.truncf %add3A : vector<1040x256xf32> to vector<1040x256xbf16>
    %convert_element_type3A_18 = arith.truncf %get3A_16 : vector<256x256xf32> to vector<256x256xbf16>
    %dot_general3A = arith.constant dense<0.000000e+00> : vector<1040x256xf32>
    %dot_general3A_19 = tpu.matmul %convert_element_type3A_17, %convert_element_type3A_18, %dot_general3A {dimension_numbers = #tpu.dot_dimension_numbers<[1], [0], [0], [1], [0, 0, 1, 1], [], []>, transpose_lhs_hint = false} : vector<1040x256xbf16>, vector<256x256xbf16>, vector<1040x256xf32> -> vector<1040x256xf32>
    %get3A_20 = arith.constant 0 : index
    %get3A_21 = arith.constant 0 : index
    %get3A_22 = vector.load %arg5[%get3A_20, %get3A_21] : memref<1x256xf32, #tpu.memory_space<vmem>>, vector<1x256xf32>
    %add3A_23 = vector.broadcast %get3A_22 : vector<1x256xf32> to vector<1040x256xf32>
    %add3A_24 = arith.addf %dot_general3A_19, %add3A_23 : vector<1040x256xf32>
    %mul3A = arith.constant 0.176776692 : f32
    %mul3A_25 = vector.broadcast %mul3A : f32 to vector<1040x256xf32>
    %mul3A_26 = arith.mulf %add3A_24, %mul3A_25 : vector<1040x256xf32>
    %get3A_27 = arith.constant 0 : index
    %get3A_28 = arith.constant 0 : index
    %get3A_29 = vector.load %arg6[%get3A_27, %get3A_28] : memref<256x256xf32, #tpu.memory_space<vmem>>, vector<256x256xf32>
    %convert_element_type3A_30 = arith.truncf %add3A : vector<1040x256xf32> to vector<1040x256xbf16>
    %convert_element_type3A_31 = arith.truncf %get3A_29 : vector<256x256xf32> to vector<256x256xbf16>
    %dot_general3A_32 = arith.constant dense<0.000000e+00> : vector<1040x256xf32>
    %dot_general3A_33 = tpu.matmul %convert_element_type3A_30, %convert_element_type3A_31, %dot_general3A_32 {dimension_numbers = #tpu.dot_dimension_numbers<[1], [0], [0], [1], [0, 0, 1, 1], [], []>, transpose_lhs_hint = false} : vector<1040x256xbf16>, vector<256x256xbf16>, vector<1040x256xf32> -> vector<1040x256xf32>
    %get3A_34 = arith.constant 0 : index
    %get3A_35 = arith.constant 0 : index
    %get3A_36 = vector.load %arg7[%get3A_34, %get3A_35] : memref<1x256xf32, #tpu.memory_space<vmem>>, vector<1x256xf32>
    %add3A_37 = vector.broadcast %get3A_36 : vector<1x256xf32> to vector<1040x256xf32>
    %add3A_38 = arith.addf %dot_general3A_33, %add3A_37 : vector<1040x256xf32>
    %convert_element_type3A_39 = arith.truncf %add3A_38 : vector<1040x256xf32> to vector<1040x256xbf16>
    %get3A_40 = arith.constant 0 : index
    %get3A_41 = arith.constant 0 : index
    %get3A_42 = vector.load %arg8[%get3A_40, %get3A_41] : memref<256x256xf32, #tpu.memory_space<vmem>>, vector<256x256xf32>
    %convert_element_type3A_43 = arith.truncf %get3A_3 : vector<1040x256xf32> to vector<1040x256xbf16>
    %convert_element_type3A_44 = arith.truncf %get3A_42 : vector<256x256xf32> to vector<256x256xbf16>
    %dot_general3A_45 = arith.constant dense<0.000000e+00> : vector<1040x256xf32>
    %dot_general3A_46 = tpu.matmul %convert_element_type3A_43, %convert_element_type3A_44, %dot_general3A_45 {dimension_numbers = #tpu.dot_dimension_numbers<[1], [0], [0], [1], [0, 0, 1, 1], [], []>, transpose_lhs_hint = false} : vector<1040x256xbf16>, vector<256x256xbf16>, vector<1040x256xf32> -> vector<1040x256xf32>
    %get3A_47 = arith.constant 0 : index
    %get3A_48 = arith.constant 0 : index
    %get3A_49 = vector.load %arg9[%get3A_47, %get3A_48] : memref<1x256xf32, #tpu.memory_space<vmem>>, vector<1x256xf32>
    %add3A_50 = vector.broadcast %get3A_49 : vector<1x256xf32> to vector<1040x256xf32>
    %add3A_51 = arith.addf %dot_general3A_46, %add3A_50 : vector<1040x256xf32>
    %convert_element_type3A_52 = arith.truncf %add3A_51 : vector<1040x256xf32> to vector<1040x256xbf16>
    %convert_element_type3A_53 = arith.truncf %mul3A_26 : vector<1040x256xf32> to vector<1040x256xbf16>
    %broadcast_in_dim3A = arith.constant 1.000000e+00 : bf16
    %broadcast_in_dim3A_54 = vector.broadcast %broadcast_in_dim3A : bf16 to vector<1040x8xbf16>
    %slice3A = vector.extract_strided_slice %convert_element_type3A_53 {offsets = [0, 0], sizes = [1040, 32], strides = [1, 1]} : vector<1040x256xbf16> to vector<1040x32xbf16>
    %slice3A_55 = vector.extract_strided_slice %convert_element_type3A_39 {offsets = [0, 0], sizes = [1040, 32], strides = [1, 1]} : vector<1040x256xbf16> to vector<1040x32xbf16>
    %dot_general3A_56 = arith.constant dense<0.000000e+00> : vector<1040x1040xf32>
    %dot_general3A_57 = tpu.matmul %slice3A, %slice3A_55, %dot_general3A_56 {dimension_numbers = #tpu.dot_dimension_numbers<[1], [1], [0], [0], [0, 0, 1, 0], [], []>, transpose_lhs_hint = false} : vector<1040x32xbf16>, vector<1040x32xbf16>, vector<1040x1040xf32> -> vector<1040x1040xf32>
    %jit3A = arith.constant -8.000000e+01 : f32
    %jit3A_58 = arith.constant 6.000000e+01 : f32
    %max3A = vector.broadcast %jit3A : f32 to vector<1040x1040xf32>
    %max3A_59 = arith.maximumf %max3A, %dot_general3A_57 : vector<1040x1040xf32>
    %min3A = vector.broadcast %jit3A_58 : f32 to vector<1040x1040xf32>
    %min3A_60 = arith.minimumf %min3A, %max3A_59 : vector<1040x1040xf32>
    %exp3A = math.exp %min3A_60 : vector<1040x1040xf32>
    %convert_element_type3A_61 = arith.extf %convert_element_type3A : vector<1040x1040xbf16> to vector<1040x1040xf32>
    %mul3A_62 = arith.mulf %exp3A, %convert_element_type3A_61 : vector<1040x1040xf32>
    %convert_element_type3A_63 = arith.truncf %mul3A_62 : vector<1040x1040xf32> to vector<1040x1040xbf16>
    %slice3A_64 = vector.extract_strided_slice %convert_element_type3A_52 {offsets = [0, 0], sizes = [1040, 32], strides = [1, 1]} : vector<1040x256xbf16> to vector<1040x32xbf16>
    %concatenate3A = tpu.concatenate %slice3A_64, %broadcast_in_dim3A_54 in 1 : vector<1040x32xbf16>, vector<1040x8xbf16> -> vector<1040x40xbf16>
    %dot_general3A_65 = arith.constant dense<0.000000e+00> : vector<1040x40xf32>
    %dot_general3A_66 = tpu.matmul %convert_element_type3A_63, %concatenate3A, %dot_general3A_65 {dimension_numbers = #tpu.dot_dimension_numbers<[1], [0], [0], [1], [0, 0, 1, 1], [], []>, transpose_lhs_hint = false} : vector<1040x1040xbf16>, vector<1040x40xbf16>, vector<1040x40xf32> -> vector<1040x40xf32>
    %slice3A_67 = vector.extract_strided_slice %dot_general3A_66 {offsets = [0, 0], sizes = [1040, 32], strides = [1, 1]} : vector<1040x40xf32> to vector<1040x32xf32>
    %slice3A_68 = vector.extract_strided_slice %dot_general3A_66 {offsets = [0, 32], sizes = [1040, 1], strides = [1, 1]} : vector<1040x40xf32> to vector<1040x1xf32>
    %div3A = vector.broadcast %slice3A_68 : vector<1040x1xf32> to vector<1040x32xf32>
    %div3A_69 = arith.divf %slice3A_67, %div3A : vector<1040x32xf32>
    %slice3A_70 = vector.extract_strided_slice %convert_element_type3A_53 {offsets = [0, 32], sizes = [1040, 32], strides = [1, 1]} : vector<1040x256xbf16> to vector<1040x32xbf16>
    %slice3A_71 = vector.extract_strided_slice %convert_element_type3A_39 {offsets = [0, 32], sizes = [1040, 32], strides = [1, 1]} : vector<1040x256xbf16> to vector<1040x32xbf16>
    %dot_general3A_72 = arith.constant dense<0.000000e+00> : vector<1040x1040xf32>
    %dot_general3A_73 = tpu.matmul %slice3A_70, %slice3A_71, %dot_general3A_72 {dimension_numbers = #tpu.dot_dimension_numbers<[1], [1], [0], [0], [0, 0, 1, 0], [], []>, transpose_lhs_hint = false} : vector<1040x32xbf16>, vector<1040x32xbf16>, vector<1040x1040xf32> -> vector<1040x1040xf32>
    %jit3A_74 = arith.constant -8.000000e+01 : f32
    %jit3A_75 = arith.constant 6.000000e+01 : f32
    %max3A_76 = vector.broadcast %jit3A_74 : f32 to vector<1040x1040xf32>
    %max3A_77 = arith.maximumf %max3A_76, %dot_general3A_73 : vector<1040x1040xf32>
    %min3A_78 = vector.broadcast %jit3A_75 : f32 to vector<1040x1040xf32>
    %min3A_79 = arith.minimumf %min3A_78, %max3A_77 : vector<1040x1040xf32>
    %exp3A_80 = math.exp %min3A_79 : vector<1040x1040xf32>
    %convert_element_type3A_81 = arith.extf %convert_element_type3A : vector<1040x1040xbf16> to vector<1040x1040xf32>
    %mul3A_82 = arith.mulf %exp3A_80, %convert_element_type3A_81 : vector<1040x1040xf32>
    %convert_element_type3A_83 = arith.truncf %mul3A_82 : vector<1040x1040xf32> to vector<1040x1040xbf16>
    %slice3A_84 = vector.extract_strided_slice %convert_element_type3A_52 {offsets = [0, 32], sizes = [1040, 32], strides = [1, 1]} : vector<1040x256xbf16> to vector<1040x32xbf16>
    %concatenate3A_85 = tpu.concatenate %slice3A_84, %broadcast_in_dim3A_54 in 1 : vector<1040x32xbf16>, vector<1040x8xbf16> -> vector<1040x40xbf16>
    %dot_general3A_86 = arith.constant dense<0.000000e+00> : vector<1040x40xf32>
    %dot_general3A_87 = tpu.matmul %convert_element_type3A_83, %concatenate3A_85, %dot_general3A_86 {dimension_numbers = #tpu.dot_dimension_numbers<[1], [0], [0], [1], [0, 0, 1, 1], [], []>, transpose_lhs_hint = false} : vector<1040x1040xbf16>, vector<1040x40xbf16>, vector<1040x40xf32> -> vector<1040x40xf32>
    %slice3A_88 = vector.extract_strided_slice %dot_general3A_87 {offsets = [0, 0], sizes = [1040, 32], strides = [1, 1]} : vector<1040x40xf32> to vector<1040x32xf32>
    %slice3A_89 = vector.extract_strided_slice %dot_general3A_87 {offsets = [0, 32], sizes = [1040, 1], strides = [1, 1]} : vector<1040x40xf32> to vector<1040x1xf32>
    %div3A_90 = vector.broadcast %slice3A_89 : vector<1040x1xf32> to vector<1040x32xf32>
    %div3A_91 = arith.divf %slice3A_88, %div3A_90 : vector<1040x32xf32>
    %slice3A_92 = vector.extract_strided_slice %convert_element_type3A_53 {offsets = [0, 64], sizes = [1040, 32], strides = [1, 1]} : vector<1040x256xbf16> to vector<1040x32xbf16>
    %slice3A_93 = vector.extract_strided_slice %convert_element_type3A_39 {offsets = [0, 64], sizes = [1040, 32], strides = [1, 1]} : vector<1040x256xbf16> to vector<1040x32xbf16>
    %dot_general3A_94 = arith.constant dense<0.000000e+00> : vector<1040x1040xf32>
    %dot_general3A_95 = tpu.matmul %slice3A_92, %slice3A_93, %dot_general3A_94 {dimension_numbers = #tpu.dot_dimension_numbers<[1], [1], [0], [0], [0, 0, 1, 0], [], []>, transpose_lhs_hint = false} : vector<1040x32xbf16>, vector<1040x32xbf16>, vector<1040x1040xf32> -> vector<1040x1040xf32>
    %jit3A_96 = arith.constant -8.000000e+01 : f32
    %jit3A_97 = arith.constant 6.000000e+01 : f32
    %max3A_98 = vector.broadcast %jit3A_96 : f32 to vector<1040x1040xf32>
    %max3A_99 = arith.maximumf %max3A_98, %dot_general3A_95 : vector<1040x1040xf32>
    %min3A_100 = vector.broadcast %jit3A_97 : f32 to vector<1040x1040xf32>
    %min3A_101 = arith.minimumf %min3A_100, %max3A_99 : vector<1040x1040xf32>
    %exp3A_102 = math.exp %min3A_101 : vector<1040x1040xf32>
    %convert_element_type3A_103 = arith.extf %convert_element_type3A : vector<1040x1040xbf16> to vector<1040x1040xf32>
    %mul3A_104 = arith.mulf %exp3A_102, %convert_element_type3A_103 : vector<1040x1040xf32>
    %convert_element_type3A_105 = arith.truncf %mul3A_104 : vector<1040x1040xf32> to vector<1040x1040xbf16>
    %slice3A_106 = vector.extract_strided_slice %convert_element_type3A_52 {offsets = [0, 64], sizes = [1040, 32], strides = [1, 1]} : vector<1040x256xbf16> to vector<1040x32xbf16>
    %concatenate3A_107 = tpu.concatenate %slice3A_106, %broadcast_in_dim3A_54 in 1 : vector<1040x32xbf16>, vector<1040x8xbf16> -> vector<1040x40xbf16>
    %dot_general3A_108 = arith.constant dense<0.000000e+00> : vector<1040x40xf32>
    %dot_general3A_109 = tpu.matmul %convert_element_type3A_105, %concatenate3A_107, %dot_general3A_108 {dimension_numbers = #tpu.dot_dimension_numbers<[1], [0], [0], [1], [0, 0, 1, 1], [], []>, transpose_lhs_hint = false} : vector<1040x1040xbf16>, vector<1040x40xbf16>, vector<1040x40xf32> -> vector<1040x40xf32>
    %slice3A_110 = vector.extract_strided_slice %dot_general3A_109 {offsets = [0, 0], sizes = [1040, 32], strides = [1, 1]} : vector<1040x40xf32> to vector<1040x32xf32>
    %slice3A_111 = vector.extract_strided_slice %dot_general3A_109 {offsets = [0, 32], sizes = [1040, 1], strides = [1, 1]} : vector<1040x40xf32> to vector<1040x1xf32>
    %div3A_112 = vector.broadcast %slice3A_111 : vector<1040x1xf32> to vector<1040x32xf32>
    %div3A_113 = arith.divf %slice3A_110, %div3A_112 : vector<1040x32xf32>
    %slice3A_114 = vector.extract_strided_slice %convert_element_type3A_53 {offsets = [0, 96], sizes = [1040, 32], strides = [1, 1]} : vector<1040x256xbf16> to vector<1040x32xbf16>
    %slice3A_115 = vector.extract_strided_slice %convert_element_type3A_39 {offsets = [0, 96], sizes = [1040, 32], strides = [1, 1]} : vector<1040x256xbf16> to vector<1040x32xbf16>
    %dot_general3A_116 = arith.constant dense<0.000000e+00> : vector<1040x1040xf32>
    %dot_general3A_117 = tpu.matmul %slice3A_114, %slice3A_115, %dot_general3A_116 {dimension_numbers = #tpu.dot_dimension_numbers<[1], [1], [0], [0], [0, 0, 1, 0], [], []>, transpose_lhs_hint = false} : vector<1040x32xbf16>, vector<1040x32xbf16>, vector<1040x1040xf32> -> vector<1040x1040xf32>
    %jit3A_118 = arith.constant -8.000000e+01 : f32
    %jit3A_119 = arith.constant 6.000000e+01 : f32
    %max3A_120 = vector.broadcast %jit3A_118 : f32 to vector<1040x1040xf32>
    %max3A_121 = arith.maximumf %max3A_120, %dot_general3A_117 : vector<1040x1040xf32>
    %min3A_122 = vector.broadcast %jit3A_119 : f32 to vector<1040x1040xf32>
    %min3A_123 = arith.minimumf %min3A_122, %max3A_121 : vector<1040x1040xf32>
    %exp3A_124 = math.exp %min3A_123 : vector<1040x1040xf32>
    %convert_element_type3A_125 = arith.extf %convert_element_type3A : vector<1040x1040xbf16> to vector<1040x1040xf32>
    %mul3A_126 = arith.mulf %exp3A_124, %convert_element_type3A_125 : vector<1040x1040xf32>
    %convert_element_type3A_127 = arith.truncf %mul3A_126 : vector<1040x1040xf32> to vector<1040x1040xbf16>
    %slice3A_128 = vector.extract_strided_slice %convert_element_type3A_52 {offsets = [0, 96], sizes = [1040, 32], strides = [1, 1]} : vector<1040x256xbf16> to vector<1040x32xbf16>
    %concatenate3A_129 = tpu.concatenate %slice3A_128, %broadcast_in_dim3A_54 in 1 : vector<1040x32xbf16>, vector<1040x8xbf16> -> vector<1040x40xbf16>
    %dot_general3A_130 = arith.constant dense<0.000000e+00> : vector<1040x40xf32>
    %dot_general3A_131 = tpu.matmul %convert_element_type3A_127, %concatenate3A_129, %dot_general3A_130 {dimension_numbers = #tpu.dot_dimension_numbers<[1], [0], [0], [1], [0, 0, 1, 1], [], []>, transpose_lhs_hint = false} : vector<1040x1040xbf16>, vector<1040x40xbf16>, vector<1040x40xf32> -> vector<1040x40xf32>
    %slice3A_132 = vector.extract_strided_slice %dot_general3A_131 {offsets = [0, 0], sizes = [1040, 32], strides = [1, 1]} : vector<1040x40xf32> to vector<1040x32xf32>
    %slice3A_133 = vector.extract_strided_slice %dot_general3A_131 {offsets = [0, 32], sizes = [1040, 1], strides = [1, 1]} : vector<1040x40xf32> to vector<1040x1xf32>
    %div3A_134 = vector.broadcast %slice3A_133 : vector<1040x1xf32> to vector<1040x32xf32>
    %div3A_135 = arith.divf %slice3A_132, %div3A_134 : vector<1040x32xf32>
    %slice3A_136 = vector.extract_strided_slice %convert_element_type3A_53 {offsets = [0, 128], sizes = [1040, 32], strides = [1, 1]} : vector<1040x256xbf16> to vector<1040x32xbf16>
    %slice3A_137 = vector.extract_strided_slice %convert_element_type3A_39 {offsets = [0, 128], sizes = [1040, 32], strides = [1, 1]} : vector<1040x256xbf16> to vector<1040x32xbf16>
    %dot_general3A_138 = arith.constant dense<0.000000e+00> : vector<1040x1040xf32>
    %dot_general3A_139 = tpu.matmul %slice3A_136, %slice3A_137, %dot_general3A_138 {dimension_numbers = #tpu.dot_dimension_numbers<[1], [1], [0], [0], [0, 0, 1, 0], [], []>, transpose_lhs_hint = false} : vector<1040x32xbf16>, vector<1040x32xbf16>, vector<1040x1040xf32> -> vector<1040x1040xf32>
    %jit3A_140 = arith.constant -8.000000e+01 : f32
    %jit3A_141 = arith.constant 6.000000e+01 : f32
    %max3A_142 = vector.broadcast %jit3A_140 : f32 to vector<1040x1040xf32>
    %max3A_143 = arith.maximumf %max3A_142, %dot_general3A_139 : vector<1040x1040xf32>
    %min3A_144 = vector.broadcast %jit3A_141 : f32 to vector<1040x1040xf32>
    %min3A_145 = arith.minimumf %min3A_144, %max3A_143 : vector<1040x1040xf32>
    %exp3A_146 = math.exp %min3A_145 : vector<1040x1040xf32>
    %convert_element_type3A_147 = arith.extf %convert_element_type3A : vector<1040x1040xbf16> to vector<1040x1040xf32>
    %mul3A_148 = arith.mulf %exp3A_146, %convert_element_type3A_147 : vector<1040x1040xf32>
    %convert_element_type3A_149 = arith.truncf %mul3A_148 : vector<1040x1040xf32> to vector<1040x1040xbf16>
    %slice3A_150 = vector.extract_strided_slice %convert_element_type3A_52 {offsets = [0, 128], sizes = [1040, 32], strides = [1, 1]} : vector<1040x256xbf16> to vector<1040x32xbf16>
    %concatenate3A_151 = tpu.concatenate %slice3A_150, %broadcast_in_dim3A_54 in 1 : vector<1040x32xbf16>, vector<1040x8xbf16> -> vector<1040x40xbf16>
    %dot_general3A_152 = arith.constant dense<0.000000e+00> : vector<1040x40xf32>
    %dot_general3A_153 = tpu.matmul %convert_element_type3A_149, %concatenate3A_151, %dot_general3A_152 {dimension_numbers = #tpu.dot_dimension_numbers<[1], [0], [0], [1], [0, 0, 1, 1], [], []>, transpose_lhs_hint = false} : vector<1040x1040xbf16>, vector<1040x40xbf16>, vector<1040x40xf32> -> vector<1040x40xf32>
    %slice3A_154 = vector.extract_strided_slice %dot_general3A_153 {offsets = [0, 0], sizes = [1040, 32], strides = [1, 1]} : vector<1040x40xf32> to vector<1040x32xf32>
    %slice3A_155 = vector.extract_strided_slice %dot_general3A_153 {offsets = [0, 32], sizes = [1040, 1], strides = [1, 1]} : vector<1040x40xf32> to vector<1040x1xf32>
    %div3A_156 = vector.broadcast %slice3A_155 : vector<1040x1xf32> to vector<1040x32xf32>
    %div3A_157 = arith.divf %slice3A_154, %div3A_156 : vector<1040x32xf32>
    %slice3A_158 = vector.extract_strided_slice %convert_element_type3A_53 {offsets = [0, 160], sizes = [1040, 32], strides = [1, 1]} : vector<1040x256xbf16> to vector<1040x32xbf16>
    %slice3A_159 = vector.extract_strided_slice %convert_element_type3A_39 {offsets = [0, 160], sizes = [1040, 32], strides = [1, 1]} : vector<1040x256xbf16> to vector<1040x32xbf16>
    %dot_general3A_160 = arith.constant dense<0.000000e+00> : vector<1040x1040xf32>
    %dot_general3A_161 = tpu.matmul %slice3A_158, %slice3A_159, %dot_general3A_160 {dimension_numbers = #tpu.dot_dimension_numbers<[1], [1], [0], [0], [0, 0, 1, 0], [], []>, transpose_lhs_hint = false} : vector<1040x32xbf16>, vector<1040x32xbf16>, vector<1040x1040xf32> -> vector<1040x1040xf32>
    %jit3A_162 = arith.constant -8.000000e+01 : f32
    %jit3A_163 = arith.constant 6.000000e+01 : f32
    %max3A_164 = vector.broadcast %jit3A_162 : f32 to vector<1040x1040xf32>
    %max3A_165 = arith.maximumf %max3A_164, %dot_general3A_161 : vector<1040x1040xf32>
    %min3A_166 = vector.broadcast %jit3A_163 : f32 to vector<1040x1040xf32>
    %min3A_167 = arith.minimumf %min3A_166, %max3A_165 : vector<1040x1040xf32>
    %exp3A_168 = math.exp %min3A_167 : vector<1040x1040xf32>
    %convert_element_type3A_169 = arith.extf %convert_element_type3A : vector<1040x1040xbf16> to vector<1040x1040xf32>
    %mul3A_170 = arith.mulf %exp3A_168, %convert_element_type3A_169 : vector<1040x1040xf32>
    %convert_element_type3A_171 = arith.truncf %mul3A_170 : vector<1040x1040xf32> to vector<1040x1040xbf16>
    %slice3A_172 = vector.extract_strided_slice %convert_element_type3A_52 {offsets = [0, 160], sizes = [1040, 32], strides = [1, 1]} : vector<1040x256xbf16> to vector<1040x32xbf16>
    %concatenate3A_173 = tpu.concatenate %slice3A_172, %broadcast_in_dim3A_54 in 1 : vector<1040x32xbf16>, vector<1040x8xbf16> -> vector<1040x40xbf16>
    %dot_general3A_174 = arith.constant dense<0.000000e+00> : vector<1040x40xf32>
    %dot_general3A_175 = tpu.matmul %convert_element_type3A_171, %concatenate3A_173, %dot_general3A_174 {dimension_numbers = #tpu.dot_dimension_numbers<[1], [0], [0], [1], [0, 0, 1, 1], [], []>, transpose_lhs_hint = false} : vector<1040x1040xbf16>, vector<1040x40xbf16>, vector<1040x40xf32> -> vector<1040x40xf32>
    %slice3A_176 = vector.extract_strided_slice %dot_general3A_175 {offsets = [0, 0], sizes = [1040, 32], strides = [1, 1]} : vector<1040x40xf32> to vector<1040x32xf32>
    %slice3A_177 = vector.extract_strided_slice %dot_general3A_175 {offsets = [0, 32], sizes = [1040, 1], strides = [1, 1]} : vector<1040x40xf32> to vector<1040x1xf32>
    %div3A_178 = vector.broadcast %slice3A_177 : vector<1040x1xf32> to vector<1040x32xf32>
    %div3A_179 = arith.divf %slice3A_176, %div3A_178 : vector<1040x32xf32>
    %slice3A_180 = vector.extract_strided_slice %convert_element_type3A_53 {offsets = [0, 192], sizes = [1040, 32], strides = [1, 1]} : vector<1040x256xbf16> to vector<1040x32xbf16>
    %slice3A_181 = vector.extract_strided_slice %convert_element_type3A_39 {offsets = [0, 192], sizes = [1040, 32], strides = [1, 1]} : vector<1040x256xbf16> to vector<1040x32xbf16>
    %dot_general3A_182 = arith.constant dense<0.000000e+00> : vector<1040x1040xf32>
    %dot_general3A_183 = tpu.matmul %slice3A_180, %slice3A_181, %dot_general3A_182 {dimension_numbers = #tpu.dot_dimension_numbers<[1], [1], [0], [0], [0, 0, 1, 0], [], []>, transpose_lhs_hint = false} : vector<1040x32xbf16>, vector<1040x32xbf16>, vector<1040x1040xf32> -> vector<1040x1040xf32>
    %jit3A_184 = arith.constant -8.000000e+01 : f32
    %jit3A_185 = arith.constant 6.000000e+01 : f32
    %max3A_186 = vector.broadcast %jit3A_184 : f32 to vector<1040x1040xf32>
    %max3A_187 = arith.maximumf %max3A_186, %dot_general3A_183 : vector<1040x1040xf32>
    %min3A_188 = vector.broadcast %jit3A_185 : f32 to vector<1040x1040xf32>
    %min3A_189 = arith.minimumf %min3A_188, %max3A_187 : vector<1040x1040xf32>
    %exp3A_190 = math.exp %min3A_189 : vector<1040x1040xf32>
    %convert_element_type3A_191 = arith.extf %convert_element_type3A : vector<1040x1040xbf16> to vector<1040x1040xf32>
    %mul3A_192 = arith.mulf %exp3A_190, %convert_element_type3A_191 : vector<1040x1040xf32>
    %convert_element_type3A_193 = arith.truncf %mul3A_192 : vector<1040x1040xf32> to vector<1040x1040xbf16>
    %slice3A_194 = vector.extract_strided_slice %convert_element_type3A_52 {offsets = [0, 192], sizes = [1040, 32], strides = [1, 1]} : vector<1040x256xbf16> to vector<1040x32xbf16>
    %concatenate3A_195 = tpu.concatenate %slice3A_194, %broadcast_in_dim3A_54 in 1 : vector<1040x32xbf16>, vector<1040x8xbf16> -> vector<1040x40xbf16>
    %dot_general3A_196 = arith.constant dense<0.000000e+00> : vector<1040x40xf32>
    %dot_general3A_197 = tpu.matmul %convert_element_type3A_193, %concatenate3A_195, %dot_general3A_196 {dimension_numbers = #tpu.dot_dimension_numbers<[1], [0], [0], [1], [0, 0, 1, 1], [], []>, transpose_lhs_hint = false} : vector<1040x1040xbf16>, vector<1040x40xbf16>, vector<1040x40xf32> -> vector<1040x40xf32>
    %slice3A_198 = vector.extract_strided_slice %dot_general3A_197 {offsets = [0, 0], sizes = [1040, 32], strides = [1, 1]} : vector<1040x40xf32> to vector<1040x32xf32>
    %slice3A_199 = vector.extract_strided_slice %dot_general3A_197 {offsets = [0, 32], sizes = [1040, 1], strides = [1, 1]} : vector<1040x40xf32> to vector<1040x1xf32>
    %div3A_200 = vector.broadcast %slice3A_199 : vector<1040x1xf32> to vector<1040x32xf32>
    %div3A_201 = arith.divf %slice3A_198, %div3A_200 : vector<1040x32xf32>
    %slice3A_202 = vector.extract_strided_slice %convert_element_type3A_53 {offsets = [0, 224], sizes = [1040, 32], strides = [1, 1]} : vector<1040x256xbf16> to vector<1040x32xbf16>
    %slice3A_203 = vector.extract_strided_slice %convert_element_type3A_39 {offsets = [0, 224], sizes = [1040, 32], strides = [1, 1]} : vector<1040x256xbf16> to vector<1040x32xbf16>
    %dot_general3A_204 = arith.constant dense<0.000000e+00> : vector<1040x1040xf32>
    %dot_general3A_205 = tpu.matmul %slice3A_202, %slice3A_203, %dot_general3A_204 {dimension_numbers = #tpu.dot_dimension_numbers<[1], [1], [0], [0], [0, 0, 1, 0], [], []>, transpose_lhs_hint = false} : vector<1040x32xbf16>, vector<1040x32xbf16>, vector<1040x1040xf32> -> vector<1040x1040xf32>
    %jit3A_206 = arith.constant -8.000000e+01 : f32
    %jit3A_207 = arith.constant 6.000000e+01 : f32
    %max3A_208 = vector.broadcast %jit3A_206 : f32 to vector<1040x1040xf32>
    %max3A_209 = arith.maximumf %max3A_208, %dot_general3A_205 : vector<1040x1040xf32>
    %min3A_210 = vector.broadcast %jit3A_207 : f32 to vector<1040x1040xf32>
    %min3A_211 = arith.minimumf %min3A_210, %max3A_209 : vector<1040x1040xf32>
    %exp3A_212 = math.exp %min3A_211 : vector<1040x1040xf32>
    %convert_element_type3A_213 = arith.extf %convert_element_type3A : vector<1040x1040xbf16> to vector<1040x1040xf32>
    %mul3A_214 = arith.mulf %exp3A_212, %convert_element_type3A_213 : vector<1040x1040xf32>
    %convert_element_type3A_215 = arith.truncf %mul3A_214 : vector<1040x1040xf32> to vector<1040x1040xbf16>
    %slice3A_216 = vector.extract_strided_slice %convert_element_type3A_52 {offsets = [0, 224], sizes = [1040, 32], strides = [1, 1]} : vector<1040x256xbf16> to vector<1040x32xbf16>
    %concatenate3A_217 = tpu.concatenate %slice3A_216, %broadcast_in_dim3A_54 in 1 : vector<1040x32xbf16>, vector<1040x8xbf16> -> vector<1040x40xbf16>
    %dot_general3A_218 = arith.constant dense<0.000000e+00> : vector<1040x40xf32>
    %dot_general3A_219 = tpu.matmul %convert_element_type3A_215, %concatenate3A_217, %dot_general3A_218 {dimension_numbers = #tpu.dot_dimension_numbers<[1], [0], [0], [1], [0, 0, 1, 1], [], []>, transpose_lhs_hint = false} : vector<1040x1040xbf16>, vector<1040x40xbf16>, vector<1040x40xf32> -> vector<1040x40xf32>
    %slice3A_220 = vector.extract_strided_slice %dot_general3A_219 {offsets = [0, 0], sizes = [1040, 32], strides = [1, 1]} : vector<1040x40xf32> to vector<1040x32xf32>
    %slice3A_221 = vector.extract_strided_slice %dot_general3A_219 {offsets = [0, 32], sizes = [1040, 1], strides = [1, 1]} : vector<1040x40xf32> to vector<1040x1xf32>
    %div3A_222 = vector.broadcast %slice3A_221 : vector<1040x1xf32> to vector<1040x32xf32>
    %div3A_223 = arith.divf %slice3A_220, %div3A_222 : vector<1040x32xf32>
    %concatenate3A_224 = tpu.concatenate %div3A_69, %div3A_91, %div3A_113, %div3A_135, %div3A_157, %div3A_179, %div3A_201, %div3A_223 in 1 : vector<1040x32xf32>, vector<1040x32xf32>, vector<1040x32xf32>, vector<1040x32xf32>, vector<1040x32xf32>, vector<1040x32xf32>, vector<1040x32xf32>, vector<1040x32xf32> -> vector<1040x256xf32>
    %get3A_225 = arith.constant 0 : index
    %get3A_226 = arith.constant 0 : index
    %get3A_227 = vector.load %arg10[%get3A_225, %get3A_226] : memref<256x256xf32, #tpu.memory_space<vmem>>, vector<256x256xf32>
    %convert_element_type3A_228 = arith.truncf %concatenate3A_224 : vector<1040x256xf32> to vector<1040x256xbf16>
    %convert_element_type3A_229 = arith.truncf %get3A_227 : vector<256x256xf32> to vector<256x256xbf16>
    %dot_general3A_230 = arith.constant dense<0.000000e+00> : vector<1040x256xf32>
    %dot_general3A_231 = tpu.matmul %convert_element_type3A_228, %convert_element_type3A_229, %dot_general3A_230 {dimension_numbers = #tpu.dot_dimension_numbers<[1], [0], [0], [1], [0, 0, 1, 1], [], []>, transpose_lhs_hint = false} : vector<1040x256xbf16>, vector<256x256xbf16>, vector<1040x256xf32> -> vector<1040x256xf32>
    %add3A_232 = arith.addf %get3A_3, %dot_general3A_231 : vector<1040x256xf32>
    %get3A_233 = arith.constant 0 : index
    %get3A_234 = arith.constant 0 : index
    %get3A_235 = vector.load %arg11[%get3A_233, %get3A_234] : memref<1x256xf32, #tpu.memory_space<vmem>>, vector<1x256xf32>
    %add3A_236 = vector.broadcast %get3A_235 : vector<1x256xf32> to vector<1040x256xf32>
    %add3A_237 = arith.addf %add3A_232, %add3A_236 : vector<1040x256xf32>
    %get3A_238 = arith.constant 0 : index
    %get3A_239 = arith.constant 0 : index
    %get3A_240 = vector.load %arg16[%get3A_238, %get3A_239] : memref<1x256xf32, #tpu.memory_space<vmem>>, vector<1x256xf32>
    %get3A_241 = arith.constant 0 : index
    %get3A_242 = arith.constant 0 : index
    %get3A_243 = vector.load %arg17[%get3A_241, %get3A_242] : memref<1x256xf32, #tpu.memory_space<vmem>>, vector<1x256xf32>
    %reduce_sum3A = arith.constant dense<0.000000e+00> : vector<1040xf32>
    %reduce_sum3A_244 = vector.multi_reduction <add>, %add3A_237, %reduce_sum3A [1] : vector<1040x256xf32> to vector<1040xf32>
    %broadcast_in_dim3A_245 = vector.shape_cast %reduce_sum3A_244 : vector<1040xf32> to vector<1040x1xf32>
    %div3A_246 = arith.constant 2.560000e+02 : f32
    %div3A_247 = vector.broadcast %div3A_246 : f32 to vector<1040x1xf32>
    %div3A_248 = arith.divf %broadcast_in_dim3A_245, %div3A_247 : vector<1040x1xf32>
    %sub3A = vector.broadcast %div3A_248 : vector<1040x1xf32> to vector<1040x256xf32>
    %sub3A_249 = arith.subf %add3A_237, %sub3A : vector<1040x256xf32>
    %mul3A_250 = arith.mulf %sub3A_249, %sub3A_249 : vector<1040x256xf32>
    %reduce_sum3A_251 = arith.constant dense<0.000000e+00> : vector<1040xf32>
    %reduce_sum3A_252 = vector.multi_reduction <add>, %mul3A_250, %reduce_sum3A_251 [1] : vector<1040x256xf32> to vector<1040xf32>
    %broadcast_in_dim3A_253 = vector.shape_cast %reduce_sum3A_252 : vector<1040xf32> to vector<1040x1xf32>
    %div3A_254 = arith.constant 2.560000e+02 : f32
    %div3A_255 = vector.broadcast %div3A_254 : f32 to vector<1040x1xf32>
    %div3A_256 = arith.divf %broadcast_in_dim3A_253, %div3A_255 : vector<1040x1xf32>
    %add3A_257 = arith.constant 9.99999974E-6 : f32
    %add3A_258 = vector.broadcast %add3A_257 : f32 to vector<1040x1xf32>
    %add3A_259 = arith.addf %div3A_256, %add3A_258 : vector<1040x1xf32>
    %rsqrt3A = math.rsqrt %add3A_259 : vector<1040x1xf32>
    %mul3A_260 = vector.broadcast %rsqrt3A : vector<1040x1xf32> to vector<1040x256xf32>
    %mul3A_261 = arith.mulf %sub3A_249, %mul3A_260 : vector<1040x256xf32>
    %mul3A_262 = vector.broadcast %get3A_240 : vector<1x256xf32> to vector<1040x256xf32>
    %mul3A_263 = arith.mulf %mul3A_261, %mul3A_262 : vector<1040x256xf32>
    %add3A_264 = vector.broadcast %get3A_243 : vector<1x256xf32> to vector<1040x256xf32>
    %add3A_265 = arith.addf %mul3A_263, %add3A_264 : vector<1040x256xf32>
    %get3A_266 = arith.constant 0 : index
    %get3A_267 = arith.constant 0 : index
    %get3A_268 = vector.load %arg12[%get3A_266, %get3A_267] : memref<256x1024xf32, #tpu.memory_space<vmem>>, vector<256x1024xf32>
    %convert_element_type3A_269 = arith.truncf %add3A_265 : vector<1040x256xf32> to vector<1040x256xbf16>
    %convert_element_type3A_270 = arith.truncf %get3A_268 : vector<256x1024xf32> to vector<256x1024xbf16>
    %dot_general3A_271 = arith.constant dense<0.000000e+00> : vector<1040x1024xf32>
    %dot_general3A_272 = tpu.matmul %convert_element_type3A_269, %convert_element_type3A_270, %dot_general3A_271 {dimension_numbers = #tpu.dot_dimension_numbers<[1], [0], [0], [1], [0, 0, 1, 1], [], []>, transpose_lhs_hint = false} : vector<1040x256xbf16>, vector<256x1024xbf16>, vector<1040x1024xf32> -> vector<1040x1024xf32>
    %get3A_273 = arith.constant 0 : index
    %get3A_274 = arith.constant 0 : index
    %get3A_275 = vector.load %arg13[%get3A_273, %get3A_274] : memref<1x1024xf32, #tpu.memory_space<vmem>>, vector<1x1024xf32>
    %add3A_276 = vector.broadcast %get3A_275 : vector<1x1024xf32> to vector<1040x1024xf32>
    %add3A_277 = arith.addf %dot_general3A_272, %add3A_276 : vector<1040x1024xf32>
    %max3A_278 = arith.constant 0.000000e+00 : f32
    %max3A_279 = vector.broadcast %max3A_278 : f32 to vector<1040x1024xf32>
    %max3A_280 = arith.maximumf %add3A_277, %max3A_279 : vector<1040x1024xf32>
    %get3A_281 = arith.constant 0 : index
    %get3A_282 = arith.constant 0 : index
    %get3A_283 = vector.load %arg14[%get3A_281, %get3A_282] : memref<1024x256xf32, #tpu.memory_space<vmem>>, vector<1024x256xf32>
    %convert_element_type3A_284 = arith.truncf %max3A_280 : vector<1040x1024xf32> to vector<1040x1024xbf16>
    %convert_element_type3A_285 = arith.truncf %get3A_283 : vector<1024x256xf32> to vector<1024x256xbf16>
    %dot_general3A_286 = arith.constant dense<0.000000e+00> : vector<1040x256xf32>
    %dot_general3A_287 = tpu.matmul %convert_element_type3A_284, %convert_element_type3A_285, %dot_general3A_286 {dimension_numbers = #tpu.dot_dimension_numbers<[1], [0], [0], [1], [0, 0, 1, 1], [], []>, transpose_lhs_hint = false} : vector<1040x1024xbf16>, vector<1024x256xbf16>, vector<1040x256xf32> -> vector<1040x256xf32>
    %get3A_288 = arith.constant 0 : index
    %get3A_289 = arith.constant 0 : index
    %get3A_290 = vector.load %arg15[%get3A_288, %get3A_289] : memref<1x256xf32, #tpu.memory_space<vmem>>, vector<1x256xf32>
    %add3A_291 = vector.broadcast %get3A_290 : vector<1x256xf32> to vector<1040x256xf32>
    %add3A_292 = arith.addf %dot_general3A_287, %add3A_291 : vector<1040x256xf32>
    %add3A_293 = arith.addf %add3A_265, %add3A_292 : vector<1040x256xf32>
    %get3A_294 = arith.constant 0 : index
    %get3A_295 = arith.constant 0 : index
    %get3A_296 = vector.load %arg18[%get3A_294, %get3A_295] : memref<1x256xf32, #tpu.memory_space<vmem>>, vector<1x256xf32>
    %get3A_297 = arith.constant 0 : index
    %get3A_298 = arith.constant 0 : index
    %get3A_299 = vector.load %arg19[%get3A_297, %get3A_298] : memref<1x256xf32, #tpu.memory_space<vmem>>, vector<1x256xf32>
    %reduce_sum3A_300 = arith.constant dense<0.000000e+00> : vector<1040xf32>
    %reduce_sum3A_301 = vector.multi_reduction <add>, %add3A_293, %reduce_sum3A_300 [1] : vector<1040x256xf32> to vector<1040xf32>
    %broadcast_in_dim3A_302 = vector.shape_cast %reduce_sum3A_301 : vector<1040xf32> to vector<1040x1xf32>
    %div3A_303 = arith.constant 2.560000e+02 : f32
    %div3A_304 = vector.broadcast %div3A_303 : f32 to vector<1040x1xf32>
    %div3A_305 = arith.divf %broadcast_in_dim3A_302, %div3A_304 : vector<1040x1xf32>
    %sub3A_306 = vector.broadcast %div3A_305 : vector<1040x1xf32> to vector<1040x256xf32>
    %sub3A_307 = arith.subf %add3A_293, %sub3A_306 : vector<1040x256xf32>
    %mul3A_308 = arith.mulf %sub3A_307, %sub3A_307 : vector<1040x256xf32>
    %reduce_sum3A_309 = arith.constant dense<0.000000e+00> : vector<1040xf32>
    %reduce_sum3A_310 = vector.multi_reduction <add>, %mul3A_308, %reduce_sum3A_309 [1] : vector<1040x256xf32> to vector<1040xf32>
    %broadcast_in_dim3A_311 = vector.shape_cast %reduce_sum3A_310 : vector<1040xf32> to vector<1040x1xf32>
    %div3A_312 = arith.constant 2.560000e+02 : f32
    %div3A_313 = vector.broadcast %div3A_312 : f32 to vector<1040x1xf32>
    %div3A_314 = arith.divf %broadcast_in_dim3A_311, %div3A_313 : vector<1040x1xf32>
    %add3A_315 = arith.constant 9.99999974E-6 : f32
    %add3A_316 = vector.broadcast %add3A_315 : f32 to vector<1040x1xf32>
    %add3A_317 = arith.addf %div3A_314, %add3A_316 : vector<1040x1xf32>
    %rsqrt3A_318 = math.rsqrt %add3A_317 : vector<1040x1xf32>
    %mul3A_319 = vector.broadcast %rsqrt3A_318 : vector<1040x1xf32> to vector<1040x256xf32>
    %mul3A_320 = arith.mulf %sub3A_307, %mul3A_319 : vector<1040x256xf32>
    %mul3A_321 = vector.broadcast %get3A_296 : vector<1x256xf32> to vector<1040x256xf32>
    %mul3A_322 = arith.mulf %mul3A_320, %mul3A_321 : vector<1040x256xf32>
    %add3A_323 = vector.broadcast %get3A_299 : vector<1x256xf32> to vector<1040x256xf32>
    %add3A_324 = arith.addf %mul3A_322, %add3A_323 : vector<1040x256xf32>
    %swap3A = arith.constant 0 : index
    %swap3A_325 = arith.constant 0 : index
    %swap3A_326 = arith.constant 0 : index
    %swap3A_327 = vector.load %arg20[%swap3A, %swap3A_325, %swap3A_326] : memref<1x1040x256xf32, #tpu.memory_space<vmem>>, vector<1x1040x256xf32>
    %swap3A_328 = vector.shape_cast %swap3A_327 : vector<1x1040x256xf32> to vector<1040x256xf32>
    %swap3A_329 = vector.shape_cast %add3A_324 : vector<1040x256xf32> to vector<1x1040x256xf32>
    tpu.vector_store %arg20[%swap3A, %swap3A_325, %swap3A_326], %swap3A_329 {strides = array<i32>} : memref<1x1040x256xf32, #tpu.memory_space<vmem>>, vector<1x1040x256xf32>,
    return
  }
  func.func @transform_0(%arg0: i32) -> (i32, i32, i32) {
    %c0_i32 = arith.constant 0 : i32
    %c0_i32_0 = arith.constant 0 : i32
    %c0_i32_1 = arith.constant 0 : i32
    return %arg0, %c0_i32, %c0_i32_0 : i32, i32, i32
  }
  func.func @transform_1(%arg0: i32) -> (i32, i32, i32) {
    %c0_i32 = arith.constant 0 : i32
    %c0_i32_0 = arith.constant 0 : i32
    %c0_i32_1 = arith.constant 0 : i32
    return %arg0, %c0_i32, %c0_i32_0 : i32, i32, i32
  }
  func.func @transform_2(%arg0: i32) -> (i32, i32, i32) {
    %c0_i32 = arith.constant 0 : i32
    %c0_i32_0 = arith.constant 0 : i32
    %c0_i32_1 = arith.constant 0 : i32
    return %arg0, %c0_i32, %c0_i32_0 : i32, i32, i32
  }
  func.func @transform_3(%arg0: i32) -> (i32, i32) {
    %c0_i32 = arith.constant 0 : i32
    %c0_i32_0 = arith.constant 0 : i32
    %c0_i32_1 = arith.constant 0 : i32
    return %c0_i32, %c0_i32_0 : i32, i32
  }
  func.func @transform_4(%arg0: i32) -> (i32, i32) {
    %c0_i32 = arith.constant 0 : i32
    %c0_i32_0 = arith.constant 0 : i32
    %c0_i32_1 = arith.constant 0 : i32
    return %c0_i32, %c0_i32_0 : i32, i32
  }
  func.func @transform_5(%arg0: i32) -> (i32, i32) {
    %c0_i32 = arith.constant 0 : i32
    %c0_i32_0 = arith.constant 0 : i32
    %c0_i32_1 = arith.constant 0 : i32
    return %c0_i32, %c0_i32_0 : i32, i32
  }
  func.func @transform_6(%arg0: i32) -> (i32, i32) {
    %c0_i32 = arith.constant 0 : i32
    %c0_i32_0 = arith.constant 0 : i32
    %c0_i32_1 = arith.constant 0 : i32
    return %c0_i32, %c0_i32_0 : i32, i32
  }
  func.func @transform_7(%arg0: i32) -> (i32, i32) {
    %c0_i32 = arith.constant 0 : i32
    %c0_i32_0 = arith.constant 0 : i32
    %c0_i32_1 = arith.constant 0 : i32
    return %c0_i32, %c0_i32_0 : i32, i32
  }
  func.func @transform_8(%arg0: i32) -> (i32, i32) {
    %c0_i32 = arith.constant 0 : i32
    %c0_i32_0 = arith.constant 0 : i32
    %c0_i32_1 = arith.constant 0 : i32
    return %c0_i32, %c0_i32_0 : i32, i32
  }
  func.func @transform_9(%arg0: i32) -> (i32, i32) {
    %c0_i32 = arith.constant 0 : i32
    %c0_i32_0 = arith.constant 0 : i32
    %c0_i32_1 = arith.constant 0 : i32
    return %c0_i32, %c0_i32_0 : i32, i32
  }
  func.func @transform_10(%arg0: i32) -> (i32, i32) {
    %c0_i32 = arith.constant 0 : i32
    %c0_i32_0 = arith.constant 0 : i32
    %c0_i32_1 = arith.constant 0 : i32
    return %c0_i32, %c0_i32_0 : i32, i32
  }
  func.func @transform_11(%arg0: i32) -> (i32, i32) {
    %c0_i32 = arith.constant 0 : i32
    %c0_i32_0 = arith.constant 0 : i32
    %c0_i32_1 = arith.constant 0 : i32
    return %c0_i32, %c0_i32_0 : i32, i32
  }
  func.func @transform_12(%arg0: i32) -> (i32, i32) {
    %c0_i32 = arith.constant 0 : i32
    %c0_i32_0 = arith.constant 0 : i32
    %c0_i32_1 = arith.constant 0 : i32
    return %c0_i32, %c0_i32_0 : i32, i32
  }
  func.func @transform_13(%arg0: i32) -> (i32, i32) {
    %c0_i32 = arith.constant 0 : i32
    %c0_i32_0 = arith.constant 0 : i32
    %c0_i32_1 = arith.constant 0 : i32
    return %c0_i32, %c0_i32_0 : i32, i32
  }
  func.func @transform_14(%arg0: i32) -> (i32, i32) {
    %c0_i32 = arith.constant 0 : i32
    %c0_i32_0 = arith.constant 0 : i32
    %c0_i32_1 = arith.constant 0 : i32
    return %c0_i32, %c0_i32_0 : i32, i32
  }
  func.func @transform_15(%arg0: i32) -> (i32, i32) {
    %c0_i32 = arith.constant 0 : i32
    %c0_i32_0 = arith.constant 0 : i32
    %c0_i32_1 = arith.constant 0 : i32
    return %c0_i32, %c0_i32_0 : i32, i32
  }
  func.func @transform_16(%arg0: i32) -> (i32, i32) {
    %c0_i32 = arith.constant 0 : i32
    %c0_i32_0 = arith.constant 0 : i32
    %c0_i32_1 = arith.constant 0 : i32
    return %c0_i32, %c0_i32_0 : i32, i32
  }
  func.func @transform_17(%arg0: i32) -> (i32, i32) {
    %c0_i32 = arith.constant 0 : i32
    %c0_i32_0 = arith.constant 0 : i32
    %c0_i32_1 = arith.constant 0 : i32
    return %c0_i32, %c0_i32_0 : i32, i32
  }
  func.func @transform_18(%arg0: i32) -> (i32, i32) {
    %c0_i32 = arith.constant 0 : i32
    %c0_i32_0 = arith.constant 0 : i32
    %c0_i32_1 = arith.constant 0 : i32
    return %c0_i32, %c0_i32_0 : i32, i32
  }
  func.func @transform_19(%arg0: i32) -> (i32, i32, i32) {
    %c0_i32 = arith.constant 0 : i32
    %c0_i32_0 = arith.constant 0 : i32
    %c0_i32_1 = arith.constant 0 : i32
    return %arg0, %c0_i32, %c0_i32_0 : i32, i32, i32
  }
}

</mosaic_0001>

<sc_bundles>
// kernel: kernel.12.cloned.1.call-start
scs
__scs_entry_jumppad:
0x0: {  	(pc) =	sbr.rel $0x88, $3  }
0x1: {  	(tag) =	ssettag $0x0;
	lr =	simm.s32 $0x1  }
0x2: {  	[smem:$0x3F22] =	sst lr;
	_ =	strace $0xD0000000  }
0x3: {  	_ = 	snop  }
0x4: {  	_ = 	snop  }
0x5: {  	_ = 	snop  }
0x6: {  	_ = 	snop  }
0x7: {  	_ = 	snop  }
__scs_overlays_trampoline_lowered:
0x8: {  	[smem:$0x3F31] =	sst s0  }
0x9: {  	[smem:$0x3F32] =	sst s1  }
0xa: {  	[smem:$0x3F33] =	sst s2  }
0xb: {  	[smem:$0x3F34] =	sst s3  }
0xc: {  	[smem:$0x3F35] =	sst s4  }
0xd: {  	[smem:$0x3F36] =	sst s5  }
0xe: {  	[smem:$0x3F37] =	sst s6  }
0xf: {  	[smem:$0x3F38] =	sst s7  }
0x10: {  	[smem:$0x3F39] =	sst s8  }
0x11: {  	[smem:$0x3F3A] =	sst s9;
	s0 =	simm.s32 @!p0 $0x0  }
0x12: {  	s1 =	sld [smem:$0x3F20];
	s0 =	simm.s32 @p0 $0x1  }
0x13: {  	[smem:$0x3F3B] =	sst s0;
	s0 =	simm.s32 @!p1 $0x0  }
0x14: {  	s2 =	sld [smem:$0x3F1F];
	s0 =	simm.s32 @p1 $0x1  }
0x15: {  	[smem:$0x3F3C] =	sst s0;
	s0 =	simm.s32 @!p2 $0x0  }
0x16: {  	s3 =	sld [smem:$0x3FDB];
	s0 =	simm.s32 @p2 $0x1  }
0x17: {  	s4 =	simm.s32 $0x1BF5;
	[smem:$0x3F3E] =	sst s0  }
0x18: {  	s0 =	sld [smem:$0x3F21];
	_ =	swait.ge [sflag:s4], $0x0  }
0x19: {  	s7 =	sld [smem:$0x3F22]  }
0x1a: {  	s8 =	sadd.s32 $0xFFFFE003, lr  }
0x1b: {  	s9 =	sadd.s32 $0xFFFFFEF7, lr;
	s5 =	simm.s32 $0xFFFFFFFF;
	p2 =	slt.u32 s8, $0xFFFFF086  }
0x1c: {  	p1 =	slt.u32 s9, $0xF7A;
	s5 =	simm.s32 @!p2 $0x0  }
0x1d: {  	s5 =	simm.s32 @p1 $0x1;
	p0 =	seq.s32 s7, s2  }
0x1e: {  	s7 =	smul.u32 @!p0 $0xF7A, s2;
	p2 =	seq.s32 @!p0 s5, $0x0  }
0x1f: {  	s9 =	smul.u32 $0xF7A, s1;
	s8 =	simm.s32 @!p0 $0x1BF5;
	p2 =	por !p2, p0  }
0x20: {  	[sflag:s8] =	ssyncset.s32 @!p0 $0xFFFFF086;
	s6 =	sadd.s32 @!p0 s3, s7;
	s7 =	simm.s32 @!p0 $0x108  }
0x21: {  	s3 =	sadd.s32 s3, s9;
	s6 =	sadd.s32 @!p0 $0x88, s6;
	s7 =	simm.s32 @p2 $0x1082  }
0x22: {  	[simem:s7], [sflag:s8] =	dma.local @!p0 [hbm:s6], $0xF7A  }
0x23: {  	s9 =	sor.u32 $0xD0000000, s2;
	s6 =	simm.s32 $0x108;
	_ =	swait.ge @!p0 [sflag:s8], $0x0  }
0x24: {  	s3 =	sadd.s32 $0x88, s3;
	s6 =	simm.s32 @!p1 $0x1082;
	[sflag:s4] =	ssyncset.s32 $0xFFFFF086  }
0x25: {  	[simem:s6], [sflag:s4] =	dma.local [hbm:s3], $0xF7A  }
0x26: {  	[smem:$0x3F22] =	sst s1;
	(tag) =	ssettag s2;
	_ =	strace s9  }
0x27: {  	s1 =	sld [smem:$0x3F32]  }
0x28: {  	s2 =	sld [smem:$0x3F33]  }
0x29: {  	s4 =	sld [smem:$0x3F35]  }
0x2a: {  	p0 =	seq.s32 s5, $0x0;
	s5 =	sld [smem:$0x3F36]  }
0x2b: {  	s6 =	sld [smem:$0x3F37]  }
0x2c: {  	s7 =	sld [smem:$0x3F38]  }
0x2d: {  	s3 =	simm.s32 $0x108;
	s8 =	sld [smem:$0x3F39]  }
0x2e: {  	s3 =	simm.s32 @!p0 $0x1082;
	s9 =	sld [smem:$0x3F3A]  }
0x2f: {  	lr =	sadd.s32 s0, s3;
	s0 =	sld [smem:$0x3F31]  }
0x30: {  	s3 =	sld [smem:$0x3F34]  }
0x31: {  	[smem:$0x3F3D] =	sst s10  }
0x32: {  	s10 =	sld [smem:$0x3F3B];
	_ =	sdelay $0x3  }
0x33: {  	p0 =	seq.s32 s10, $0x1;
	s10 =	sld [smem:$0x3F3D];
	_ =	sdelay $0x3  }
0x34: {  	[smem:$0x3F3D] =	sst s10  }
0x35: {  	s10 =	sld [smem:$0x3F3C];
	_ =	sdelay $0x3  }
0x36: {  	p1 =	seq.s32 s10, $0x1;
	s10 =	sld [smem:$0x3F3D];
	_ =	sdelay $0x3  }
0x37: {  	[smem:$0x3F3D] =	sst s10  }
0x38: {  	s10 =	sld [smem:$0x3F3E]  }
0x39: {  	_ = 	snop;
	(pc) =	sbr.ind lr, $3  }
0x3a: {  	_ = 	snop  }
0x3b: {  	_ = 	snop  }
0x3c: {  	p2 =	seq.s32 s10, $0x1;
	s10 =	sld [smem:$0x3F3D]  }
0x3d: {  	_ =	shalt  }
0x3e: {  	_ =	shalt  }
0x3f: {  	_ =	shalt  }
0x40: {  	_ =	shalt  }
0x41: {  	_ =	shalt  }
0x42: {  	_ =	shalt  }
0x43: {  	_ =	shalt  }
0x44: {  	_ =	shalt  }
0x45: {  	_ =	shalt  }
0x46: {  	_ =	shalt  }
0x47: {  	_ =	shalt  }
0x48: {  	_ =	shalt  }
0x49: {  	_ =	shalt  }
0x4a: {  	_ =	shalt  }
0x4b: {  	_ =	shalt  }
0x4c: {  	_ =	shalt  }
0x4d: {  	_ =	shalt  }
0x4e: {  	_ =	shalt  }
0x4f: {  	_ =	shalt  }
0x50: {  	_ =	shalt  }
0x51: {  	_ =	shalt  }
0x52: {  	_ =	shalt  }
0x53: {  	_ =	shalt  }
0x54: {  	_ =	shalt  }
0x55: {  	_ =	shalt  }
0x56: {  	_ =	shalt  }
0x57: {  	_ =	shalt  }
0x58: {  	_ =	shalt  }
0x59: {  	_ =	shalt  }
0x5a: {  	_ =	shalt  }
0x5b: {  	_ =	shalt  }
0x5c: {  	_ =	shalt  }
0x5d: {  	_ =	shalt  }
0x5e: {  	_ =	shalt  }
0x5f: {  	_ =	shalt  }
0x60: {  	_ =	shalt  }
0x61: {  	_ =	shalt  }
0x62: {  	_ =	shalt  }
0x63: {  	_ =	shalt  }
0x64: {  	_ =	shalt  }
0x65: {  	_ =	shalt  }
0x66: {  	_ =	shalt  }
0x67: {  	_ =	shalt  }
0x68: {  	_ =	shalt  }
0x69: {  	_ =	shalt  }
0x6a: {  	_ =	shalt  }
0x6b: {  	_ =	shalt  }
0x6c: {  	_ =	shalt  }
0x6d: {  	_ =	shalt  }
0x6e: {  	_ =	shalt  }
0x6f: {  	_ =	shalt  }
0x70: {  	_ =	shalt  }
0x71: {  	_ =	shalt  }
0x72: {  	_ =	shalt  }
0x73: {  	_ =	shalt  }
0x74: {  	_ =	shalt  }
0x75: {  	_ =	shalt  }
0x76: {  	_ =	shalt  }
0x77: {  	_ =	shalt  }
0x78: {  	_ =	shalt  }
0x79: {  	_ =	shalt  }
0x7a: {  	_ =	shalt  }
0x7b: {  	_ =	shalt  }
0x7c: {  	_ =	shalt  }
0x7d: {  	_ =	shalt  }
0x7e: {  	_ =	shalt  }
0x7f: {  	_ =	shalt  }
0x80: {  	_ =	shalt  }
0x81: {  	_ =	shalt  }
0x82: {  	_ =	shalt  }
0x83: {  	_ =	shalt  }
0x84: {  	_ =	shalt  }
0x85: {  	_ =	shalt  }
0x86: {  	_ =	shalt  }
0x87: {  	_ =	shalt  }
.Lfunc_end0:
.L_simem_size_0:
called_computation_lowered:
.L_overlay_start_0:
0x88: {  	s2 =	sld [smem:$0x3FD9]  }
0x89: {  	s3 =	sld [smem:$0x3FFE];
	_ =	sdelay $0x1  }
0x8a: {  	s1 =	srdreg.scid  }
0x8b: {  	s0 =	sand.u32 $0x1, s1  }
0x8c: {  	s14 =	sshll.u32 s0, $0xA;
	s2 =	sadd.s32 s3, s2  }
0x8d: {  	s2 =	sadd.s32 s2, s14  }
0x8e: {  	[smem:$0x3F49] =	sst s2  }
0x8f: {  	_ = 	snop  }
0x90: {  	s2 =	sld [smem:$0x3FD0];
	_ =	sdelay $0x2  }
0x91: {  	s15 =	simm.s32 $0xA;
	s4 =	simm.s32 $0x10  }
0x92: {  	[smem:s4], [sflag:s15] =	dma.local [hbm:s2], $0x1  }
0x93: {  	_ =	swait.eq [sflag:s15], $0x1  }
0x94: {  	[sflag:s15] =	ssyncset.done $0x0  }
0x95: {  	[sflag:s15] =	ssyncadd.s32 $0xFFFFFFFF  }
0x96: {  	s16 =	sld [smem:$0x11];
	(tm) =	ssettm $0x1  }
0x97: {  	s17 =	sld [smem:$0x3FFB];
	_ =	sdelay $0x3  }
0x98: {  	_ =	strace s17  }
0x99: {  	s3 =	sld [smem:$0x3FFC];
	_ =	sdelay $0x3  }
0x9a: {  	_ =	strace s3  }
0x9b: {  	s3 =	sld [smem:$0x3FFD];
	_ =	sdelay $0x3  }
0x9c: {  	_ =	strace s3  }
0x9d: {  	_ =	strace $0x8FFFFFFF  }
0x9e: {  	s18 =	sld [smem:$0x3FDB];
	_ =	sdelay $0x1  }
0x9f: {  	s19 =	simm.s32 $_scs_section_size  }
0xa0: {  	s5 =	simm.s32 $_size__tile_overlayer_lowered;
	s6 =	simm.s32 $_tile_overlayer_lowered  }
0xa1: {  	s22 =	simm.s32 $0x1BFF;
	s21 =	sshll.u32 s6, $0x1;
	s3 =	sadd.s32 s19, s18  }
0xa2: {  	s7 =	simm.s32 $0x0;
	s20 =	sshll.u32 s5, $0x1;
	s5 =	sadd.s32 s21, s3  }
0xa3: {  	[timem:s7], [sflag:s22] =	dma.local [hbm:s5], s20  }
0xa4: {  	_ =	swait.ge [sflag:s22], s20  }
0xa5: {  	s4 =	ssub.s32 $0x0, s20;
	[sflag:s22] =	ssyncset.done $0x0  }
0xa6: {  	[sflag:s22] =	ssyncadd.s32 s4;
	_ =	sdelay $0x1  }
0xa7: {  	s23 =	simm.s32 $0x1B8B  }
0xa8: {  	_ =	swait.ge [sflag:s23], $0x1  }
0xa9: {  	[sflag:s23] =	ssyncset.done $0x0  }
0xaa: {  	s25 =	simm.s32 $0x1B8E;
	s24 =	sld [smem:$0x3FFE];
	[sflag:s23] =	ssyncadd.s32 $0xFFFFFFFF  }
0xab: {  	s26 =	simm.s32 $execute0_lowered;
	[smem:$0x3FD2] =	sst s25  }
0xac: {  	s5 =	sshll.u32 s26, $0x1;
	_ =	strace $0x80000046;
	[dreg:$0x1] =	wrdreg $0xFFFFFFFF  }
0xad: {  	s28 =	simm.s32 $_size_execute0_lowered;
	s3 =	sadd.s32 s3, s5;
	[dreg:$0x0] =	wrdreg $0x0  }
0xae: {  	s5 =	sshll.u32 s28, $0x1;
	[dreg:$0x2] =	wrdreg s3  }
0xaf: {  	[dreg:$0x3] =	wrdreg s5  }
0xb0: {  	[dreg:$0x4] =	wrdreg $0xC0  }
0xb1: {  	_ =	task [dreg:s7], $0x5FFFF  }
0xb2: {  	[dreg:$0x1] =	wrdreg $0xFFFFFFFF  }
0xb3: {  	[dreg:$0x0] =	wrdreg $0x60  }
0xb4: {  	[dreg:$0x2] =	wrdreg s16  }
0xb5: {  	[dreg:$0x3] =	wrdreg s24  }
0xb6: {  	[dreg:$0x4] =	wrdreg $0x9  }
0xb7: {  	_ =	task.clear_ibuf [dreg:s7], $0x5FFFF;
	_ =	strace $0x90000046  }
0xb8: {  	s29 =	simm.s32 $0x9;
	_ =	strace $0x80000048  }
0xb9: {  	_ =	swait.ge [sflag:s29], $0x1  }
0xba: {  	[sflag:s29] =	ssyncadd.s32 $0xFFFFFFFF  }
0xbb: {  	_ =	strace $0x90000048  }
0xbc: {  	_ =	sfence  }
0xbd: {  	s30 =	sld [smem:$0x0];
	_ =	sdelay $0x2  }
0xbe: {  	s31 =	sshll.u32 s1, $0xD;
	s1 =	sshrl.u32 s1, $0x2  }
0xbf: {  	s3 =	sand.u32 $0x4000, s31;
	s1 =	sadd.s32 s1, s30  }
0xc0: {  	s0 =	sor.u32 s3, s0;
	s1 =	sshll.u32 s1, $0x11  }
0xc1: {  	s0 =	sor.u32 s1, s0  }
0xc2: {  	s0 =	sadd.s32 $0x8F2B, s0  }
0xc3: {  	[sflag:s0] =	ssyncadd.remote.s32 $0x1  }
0xc4: {  	_ =	sfence.sel $0xFFFF  }
0xc5: {  	[dreg:$0x0] =	wrdreg $0xFFFFFFFF;
	(pc) =	sbr.abs _section_cstart, $3  }
0xc6: {  	[dreg:$0x1] =	wrdreg $0xFFFFFFFF  }
0xc7: {  	_ =	task.clear_ibuf [dreg:s7], $0x2FFFF;
	_ =	strace $0x9FFFFFFF  }
0xc8: {  	(tm) =	ssettm $0x7FFFFFFF  }
0xc9: {  	_ =	shalt  }
tec
execute0_lowered:
.L_overlay_start_1:
0x0: {  	(tag) =	ssettag $0x1  }
0x1: {  	s1 =	rddreg [dreg:$0x0]  }
0x2: {  	s4 =	rddreg [dreg:$0x1];
	s2 =	srdreg.scid  }
0x3: {  	s0 =	rddreg [dreg:$0x2];
	s3 =	simm.s32 $0x0;
	s9 =	simm.s32 $0x1  }
0x4: {  	s10 =	simm.s32 $0x480;
	s5 =	sand.u32 $0x1, s2;
	[smem:$0x7FF] =	sst s3  }
0x5: {  	v0 =	vlaneseq.u32;
	s2 =	stileid.u32;
	s4 =	sadd.s32 $0x54600, s4;
	s6 =	ssub.s32 $0x2, s5  }
0x6: {  	v2 =	vmul.u32 $0xFFFFFFFF, v0;
	_ =	strace $0x80000047;
	s8 =	sshll.u32 s2, $0x1;
	s7 =	sshrl.u32 s6, $0x1  }
0x7: {  	s5 =	sor.u32 s5, s8;
	s8 =	simm.s32 $0x400;
	s6 =	ssub.s32 s6, s7  }
0x8: {  	v1 =	vimm.f32 $0.0e+00;
	v3 =	vimm.f32 $1.000000000e+00;
	v2 =	vadd.s32 $0xF, v2;
	s5 =	smul.u32 $0x104, s5;
	s7 =	simm.s32 $0x80;
	s6 =	smax.u32 s6, $0x1  }
.LBB2_1:
0x9: {  	s11 =	simm.s32 $0x40;
	s12 =	simm.s32 $0x0  }
.LBB2_2:
0xa: {  	p0 =	sne.s32 s11, $0x1000;
	[tilespmem:s12+$0x480] =	vst v1;
	s12 =	smov.u32 s11;
	s11 =	sadd.s32 $0x40, s11  }
.Ltmp0:
0xb: {  	(pc) =	sbr.rel @p0 .LBB2_2-.Ltmp0, $2  }
0xc: {  	_ =	sdelay $0x2  }
0xd: {  	s12 =	sshra.s32 s12, $0x2  }
0xe: {  	[tilespmem:s12+$0x480] =	vst v1;
	s11 =	simm.s32 $0x0;
	s12 =	simm.s32 $0x0  }
.LBB2_4:
0xf: {  	s13 =	sadd.s32 s5, s12  }
0x10: {  	s14 =	sshrl.u32 s13, $0x3  }
0x11: {  	s13 =	sshll.u32 s13, $0x7;
	s14 =	smul.u32 $0x2400, s14  }
0x12: {  	s13 =	sand.u32 $0x380, s13  }
0x13: {  	s13 =	sor.u32 s13, s14  }
0x14: {  	s13 =	sshrl.u32 s13, $0x3  }
0x15: {  	s31 =	sadd.s32 s1, s13  }
0x16: {  	[tilespmem:s11], [sflag:$0x1] =	stream.strided.gather [hbm4b:s31+s7], $0x480, s8, s7, $0x38;
	[tilespmem:$0x900] =	vst v63  }
0x17: {  	_ =	swait.ge [sflag:s9], $0x480  }
0x18: {  	[sflag:s9] =	ssyncset.done $0x0  }
0x19: {  	[sflag:s9] =	ssyncadd.s32 $0xFFFFFB80  }
0x1a: {  	v4 =	vld [tilespmem:s11+$0x0];
	_ =	sdelay $0x3  }
0x1b: {  	v5 =	vor.u32 s11, v0  }
0x1c: {  	(xrf1) =	vsort.ascd.msk.f32 $0xffff, v4, v5;
	_ =	sdelay $0xb  }
0x1d: {  	v4 =	vimm.f32 $1.000000020e+30  }
0x1e: {  	v6 =	vimm.s32 $0x0;
	s14 =	simm.s32 $0x10;
	v5 =	vperm.xlane v4, v2  }
0x1f: {  	s15 =	simm.s32 $0x20;
	s16 =	simm.s32 $0x10;
	v6 =	vperm.xlane v6, v2;
	v4 =	vld [tilespmem:s14+$0x0];
	v8, v7, _ =	vpop (xrf1)  }
.LBB2_5:
0x20: {  	p0 =	sne.s32 s15, $0x400;
	vm0 =	vle.f32 v5, v8  }
0x21: {  	v5 =	vsel vm0, v5, v8;
	v6 =	vsel vm0, v6, v7  }
0x22: {  	(xrf1) =	vsort.ascd.msk.f32 $0xffff, v5, v6  }
0x23: {  	v5 =	vor.u32 s14, v0;
	s14 =	smov.u32 s15  }
0x24: {  	(xrf1) =	vsort.ascd.msk.f32 $0xffff, v4, v5;
	_ =	sdelay $0x9  }
.Ltmp1:
0x25: {  	(pc) =	sbr.rel @p0 .LBB2_5-.Ltmp1, $4  }
0x26: {  	_ = 	snop  }
0x27: {  	v4, v6, _ =	vpop (xrf1)  }
0x28: {  	s16 =	sadd.s32 $0x10, s16;
	v5 =	vperm.xlane v4, v2  }
0x29: {  	s15 =	sadd.s32 $0x10, s15;
	v6 =	vperm.xlane v6, v2;
	v4 =	vld [tilespmem:s16+$0x0];
	v8, v7, _ =	vpop (xrf1)  }
0x2a: {  	vm0 =	vle.f32 v5, v8  }
0x2b: {  	v5 =	vsel vm0, v5, v8;
	v6 =	vsel vm0, v6, v7  }
0x2c: {  	(xrf1) =	vsort.ascd.msk.f32 $0xffff, v5, v6  }
0x2d: {  	v5 =	vor.u32 s14, v0  }
0x2e: {  	(xrf1) =	vsort.ascd.msk.f32 $0xffff, v4, v5;
	_ =	sdelay $0xb  }
0x2f: {  	v4, v5, _ =	vpop (xrf1)  }
0x30: {  	v4 =	vperm.xlane v4, v2  }
0x31: {  	v5 =	vperm.xlane v5, v2;
	v63, v7, _ =	vpop (xrf1)  }
0x32: {  	vm15 =	vle.f32 v4, v63  }
0x33: {  	v4 =	vsel vm15, v4, v63;
	v5 =	vsel vm15, v5, v7  }
0x34: {  	(xrf1) =	vsort.ascd.msk.f32 $0xffff, v4, v5;
	_ =	sdelay $0xd  }
0x35: {  	v4, v5, _ =	vpop (xrf1);
	_ =	sdelay $0x2  }
0x36: {  	s12 =	sadd.s32 $0x1, s12  }
0x37: {  	s13 =	sadd.s32 s4, s13;
	p0 =	sne.s32 s12, $0x104;
	[tilespmem:v5+s10+$0x0] =	vst.idx.msk $0xffff, v3  }
0x38: {  	[hbm4b:s13+s7] =	stream.strided.scatter [tilespmem:s10], [sflag:$0x1], $0x480, s8, s7, $0x38;
	[tilespmem:$0x900] =	vst v63  }
.Ltmp2:
0x39: {  	_ = 	snop;
	(pc) =	sbr.rel @p0 .LBB2_4-.Ltmp2, $4  }
0x3a: {  	_ =	swait.ge [sflag:s9], $0x480  }
0x3b: {  	[sflag:s9] =	ssyncset.done $0x0  }
0x3c: {  	[sflag:s9] =	ssyncadd.s32 $0xFFFFFB80  }
0x3d: {  	[tilespmem:v5+s10+$0x0] =	vst.idx.msk $0xffff, v1  }
0x3e: {  	s3 =	sadd.s32 $0x1, s3  }
0x3f: {  	p0 =	sne.s32 s3, s6  }
.Ltmp3:
0x40: {  	_ = 	snop;
	(pc) =	sbr.rel @p0 .LBB2_1-.Ltmp3, $1  }
0x41: {  	_ =	sdelay $0x3  }
0x42: {  	_ =	sfence.sel $0x180000  }
0x43: {  	[bflag:$0x0] =	sbarrier.arrive $0xFFFF  }
0x44: {  	p0 =	sne.s32 s2, $0x0;
	_ =	strace $0x90000047  }
0x45: {  	s0 =	sadd.s32 @!p0 $0x100000, s0;
	[bflag:$0x2] =	sbarrier.arrive $0xFFFF  }
0x46: {  	[sflag:s0] =	ssyncadd.tile.s32 @!p0 $0x1;
	_ =	shalt  }
.Lfunc_end2:
_tile_overlayer_lowered:
.L_overlay_start_2:
0x47: {  	(tag) =	ssettag $0x2  }
0x48: {  	s0 =	rddreg [dreg:$0x0];
	s2 =	stileid.u32  }
0x49: {  	s1 =	rddreg [dreg:$0x1];
	p0 =	sne.s32 s2, $0x0  }
0x4a: {  	s3 =	rddreg [dreg:$0x2];
	[bflag:$0x3] =	sbarrier.arrive $0xFFFF;
	s2 =	simm.s32 @!p0 $0x1C01  }
0x4b: {  	[timem:s3], [sflag:s2] =	dma.local @!p0 [hbm:s0], s1  }
0x4c: {  	s0 =	simm.s32 @!p0 $0x1  }
0x4d: {  	_ =	swait.ge @!p0 [sflag:s0], s1  }
0x4e: {  	s1 =	ssub.s32 @!p0 $0x0, s1;
	[sflag:s0] =	ssyncset.done @!p0 $0x0  }
0x4f: {  	[sflag:s0] =	ssyncadd.s32 @!p0 s1  }
0x50: {  	[bflag:$0x3] =	sbarrier.arrive $0xFFFF  }
0x51: {  	_ =	shalt  }

</sc_bundles>
